<compile_context>
chip_gen: v7x
topology: tpu7x:2x2x1
jax: 0.10.2.dev20260603
libtpu: 0.0.44.dev20260713+nightly
codegen_flags: <defaults>
</compile_context>

<pallas_src>
import functools

import jax
import jax.numpy as jnp
from jax import lax
from jax.experimental import pallas as pl
from jax.experimental.pallas import tpu as pltpu
from jax.experimental.pallas import tpu_sc as plsc

_ALPHA = 4
_NBUF = 3
_PARTS = 8


def _sc_body(nrows, band, nc, nw, fr, out, b0, b1, b2,
             l0, l1, l2, s0, s1, s2):
    bufs = (b0, b1, b2)
    lsem = (l0, l1, l2)
    ssem = (s0, s1, s2)
    nsteps = nrows * _PARTS // nw
    rows_per_step = nw // _PARTS
    wid = lax.axis_index("s") * nc + lax.axis_index("c")
    row_sel = lax.shift_right_logical(wid, 3)
    band_lo = (wid & (_PARTS - 1)) * band

    def mk_load(k):
        b = k % _NBUF
        row = jnp.int32(k * rows_per_step) + row_sel
        c = lax.shift_right_logical(row, 4)
        t = row & 15
        src_row = c * 64 + lax.shift_right_logical(t * 1101005, 18)
        return pltpu.make_async_copy(
            fr.at[src_row, pl.ds(band_lo, band), :], bufs[b], lsem[b])

    def mk_store(k):
        b = k % _NBUF
        dst_row = jnp.int32(k * rows_per_step) + row_sel
        return pltpu.make_async_copy(
            bufs[b], out.at[dst_row, pl.ds(band_lo, band), :], ssem[b])

    for k in range(min(_NBUF, nsteps)):
        mk_load(k).start()
    for k in range(nsteps):
        mk_load(k).wait()
        mk_store(k).start()
        if k + _NBUF < nsteps:
            mk_store(k).wait()
            mk_load(k + _NBUF).start()
    for k in range(max(nsteps - _NBUF, 0), nsteps):
        mk_store(k).wait()


def kernel(frames):
    C, T, H, W = frames.shape
    Ts = T // _ALPHA
    band = H // _PARTS

    info = plsc.get_sparse_core_info()
    nc, ns = info.num_cores, info.num_subcores
    nw = nc * ns

    mesh = plsc.VectorSubcoreMesh(core_axis_name="c", subcore_axis_name="s")
    sc_copy = pl.kernel(
        functools.partial(_sc_body, C * Ts, band, nc, nw),
        out_type=jax.ShapeDtypeStruct((C * Ts, H, W), frames.dtype),
        mesh=mesh,
        scratch_types=(
            [pltpu.VMEM((band, W), frames.dtype) for _ in range(_NBUF)]
            + [pltpu.SemaphoreType.DMA] * (2 * _NBUF)
        ),
        compiler_params=pltpu.CompilerParams(use_tc_tiling_on_sc=True),
    )
    slow = sc_copy(frames.reshape(C * T, H, W))
    return (slow.reshape(C, Ts, H, W), frames)

# --- scband reference (transcript-rebuilt; emitter-appended) ---
"""Pipeline reference for scband-pack-pathway-38938173506107 (READ-ONLY COPY).

The authoritative reference and input builder live on the scoring server;
editing this copy changes nothing except your own understanding.
"""

import jax, jax.numpy as jnp
import numpy as np

SLOWFAST_ALPHA = 4

def setup_inputs(seed: int = 0) -> dict:
    key = jax.random.key(seed)
    frames = jax.random.normal(key, (3, 64, 512, 512), dtype=jnp.float32)
    return {"frames": frames}

def reference(frames):
    # fast pathway: identity
    fast_pathway = frames
    # slow pathway: temporal subsampling via index_select on dim 1
    T = frames.shape[1]
    idx = jnp.linspace(0.0, T - 1, T // SLOWFAST_ALPHA).astype(jnp.int32)
    slow_pathway = jnp.take(frames, idx, axis=1)
    return (slow_pathway, fast_pathway)

if __name__ == "__main__":
    import jax
    _d = setup_inputs()
    print(jax.jit(kernel)(*tuple(_d.values())))

</pallas_src>

<mosaic_0001>
#map = affine_map<(d0, d1) -> (0, 0, 0)>
module attributes {stable_mosaic.version = 14 : i64} {
  func.func @_sc_body(%arg0: i32, %arg1: i32, %arg2: memref<192x512x512xf32, #tpu.memory_space<hbm>>, %arg3: memref<48x512x512xf32, #tpu.memory_space<hbm>>, %arg4: memref<64x512xf32, #tpu.memory_space<vmem>>, %arg5: memref<64x512xf32, #tpu.memory_space<vmem>>, %arg6: memref<64x512xf32, #tpu.memory_space<vmem>>, %arg7: memref<!tpu.dma_semaphore, #tpu.memory_space<semaphore_mem>>, %arg8: memref<!tpu.dma_semaphore, #tpu.memory_space<semaphore_mem>>, %arg9: memref<!tpu.dma_semaphore, #tpu.memory_space<semaphore_mem>>, %arg10: memref<!tpu.dma_semaphore, #tpu.memory_space<semaphore_mem>>, %arg11: memref<!tpu.dma_semaphore, #tpu.memory_space<semaphore_mem>>, %arg12: memref<!tpu.dma_semaphore, #tpu.memory_space<semaphore_mem>>) attributes {dimension_semantics = [#tpu.dimension_semantics<core_parallel>, #tpu.dimension_semantics<subcore_parallel>], iteration_bounds = array<i64: 2, 16>, scalar_prefetch = 0 : i64, scratch_operands = 9 : i64, tpu.core_type = #tpu.core_type<sc_vector_subcore>, window_params = [{transform_indices = #map}, {transform_indices = #map}]} {
    %mul3A = arith.constant 2 : i32
    %mul3A_0 = arith.muli %arg1, %mul3A : i32
    %add3A = arith.addi %mul3A_0, %arg0 : i32
    %shift_right_logical3A = arith.constant 3 : i32
    %shift_right_logical3A_1 = arith.shrui %add3A, %shift_right_logical3A : i32
    %and3A = arith.constant 7 : i32
    %and3A_2 = arith.andi %add3A, %and3A : i32
    %mul3A_3 = arith.constant 64 : i32
    %mul3A_4 = arith.muli %and3A_2, %mul3A_3 : i32
    %add3A_5 = arith.constant 0 : i32
    %add3A_6 = arith.addi %add3A_5, %shift_right_logical3A_1 : i32
    %shift_right_logical3A_7 = arith.constant 4 : i32
    %shift_right_logical3A_8 = arith.shrui %add3A_6, %shift_right_logical3A_7 : i32
    %and3A_9 = arith.constant 15 : i32
    %and3A_10 = arith.andi %add3A_6, %and3A_9 : i32
    %mul3A_11 = arith.constant 64 : i32
    %mul3A_12 = arith.muli %shift_right_logical3A_8, %mul3A_11 : i32
    %mul3A_13 = arith.constant 1101005 : i32
    %mul3A_14 = arith.muli %and3A_10, %mul3A_13 : i32
    %shift_right_logical3A_15 = arith.constant 18 : i32
    %shift_right_logical3A_16 = arith.shrui %mul3A_14, %shift_right_logical3A_15 : i32
    %add3A_17 = arith.addi %mul3A_12, %shift_right_logical3A_16 : i32
    %dma_start3A = arith.constant 0 : i32
    %dma_start3A_18 = tpu.memref_slice %arg2[%add3A_17, %mul3A_4, %dma_start3A] : memref<192x512x512xf32, #tpu.memory_space<hbm>> -> memref<1x64x512xf32, #tpu.memory_space<hbm>>
    %dma_start3A_19 = tpu.memref_squeeze %dma_start3A_18 : memref<1x64x512xf32, #tpu.memory_space<hbm>> -> memref<64x512xf32, #tpu.memory_space<hbm>>
    %dma_start3A_20 = arith.constant 0 : i32
    %dma_start3A_21 = tpu.memref_slice %arg2[%add3A_17, %mul3A_4, %dma_start3A_20] : memref<192x512x512xf32, #tpu.memory_space<hbm>> -> memref<1x64x512xf32, #tpu.memory_space<hbm>>
    %dma_start3A_22 = tpu.memref_squeeze %dma_start3A_21 : memref<1x64x512xf32, #tpu.memory_space<hbm>> -> memref<64x512xf32, #tpu.memory_space<hbm>>
    tpu.enqueue_dma source(%dma_start3A_22 : memref<64x512xf32, #tpu.memory_space<hbm>>) target(%arg4 : memref<64x512xf32, #tpu.memory_space<vmem>>) target_semaphore(%arg7 : memref<!tpu.dma_semaphore, #tpu.memory_space<semaphore_mem>>)
    %add3A_23 = arith.constant 4 : i32
    %add3A_24 = arith.addi %add3A_23, %shift_right_logical3A_1 : i32
    %shift_right_logical3A_25 = arith.constant 4 : i32
    %shift_right_logical3A_26 = arith.shrui %add3A_24, %shift_right_logical3A_25 : i32
    %and3A_27 = arith.constant 15 : i32
    %and3A_28 = arith.andi %add3A_24, %and3A_27 : i32
    %mul3A_29 = arith.constant 64 : i32
    %mul3A_30 = arith.muli %shift_right_logical3A_26, %mul3A_29 : i32
    %mul3A_31 = arith.constant 1101005 : i32
    %mul3A_32 = arith.muli %and3A_28, %mul3A_31 : i32
    %shift_right_logical3A_33 = arith.constant 18 : i32
    %shift_right_logical3A_34 = arith.shrui %mul3A_32, %shift_right_logical3A_33 : i32
    %add3A_35 = arith.addi %mul3A_30, %shift_right_logical3A_34 : i32
    %dma_start3A_36 = arith.constant 0 : i32
    %dma_start3A_37 = tpu.memref_slice %arg2[%add3A_35, %mul3A_4, %dma_start3A_36] : memref<192x512x512xf32, #tpu.memory_space<hbm>> -> memref<1x64x512xf32, #tpu.memory_space<hbm>>
    %dma_start3A_38 = tpu.memref_squeeze %dma_start3A_37 : memref<1x64x512xf32, #tpu.memory_space<hbm>> -> memref<64x512xf32, #tpu.memory_space<hbm>>
    %dma_start3A_39 = arith.constant 0 : i32
    %dma_start3A_40 = tpu.memref_slice %arg2[%add3A_35, %mul3A_4, %dma_start3A_39] : memref<192x512x512xf32, #tpu.memory_space<hbm>> -> memref<1x64x512xf32, #tpu.memory_space<hbm>>
    %dma_start3A_41 = tpu.memref_squeeze %dma_start3A_40 : memref<1x64x512xf32, #tpu.memory_space<hbm>> -> memref<64x512xf32, #tpu.memory_space<hbm>>
    tpu.enqueue_dma source(%dma_start3A_41 : memref<64x512xf32, #tpu.memory_space<hbm>>) target(%arg5 : memref<64x512xf32, #tpu.memory_space<vmem>>) target_semaphore(%arg8 : memref<!tpu.dma_semaphore, #tpu.memory_space<semaphore_mem>>)
    %add3A_42 = arith.constant 8 : i32
    %add3A_43 = arith.addi %add3A_42, %shift_right_logical3A_1 : i32
    %shift_right_logical3A_44 = arith.constant 4 : i32
    %shift_right_logical3A_45 = arith.shrui %add3A_43, %shift_right_logical3A_44 : i32
    %and3A_46 = arith.constant 15 : i32
    %and3A_47 = arith.andi %add3A_43, %and3A_46 : i32
    %mul3A_48 = arith.constant 64 : i32
    %mul3A_49 = arith.muli %shift_right_logical3A_45, %mul3A_48 : i32
    %mul3A_50 = arith.constant 1101005 : i32
    %mul3A_51 = arith.muli %and3A_47, %mul3A_50 : i32
    %shift_right_logical3A_52 = arith.constant 18 : i32
    %shift_right_logical3A_53 = arith.shrui %mul3A_51, %shift_right_logical3A_52 : i32
    %add3A_54 = arith.addi %mul3A_49, %shift_right_logical3A_53 : i32
    %dma_start3A_55 = arith.constant 0 : i32
    %dma_start3A_56 = tpu.memref_slice %arg2[%add3A_54, %mul3A_4, %dma_start3A_55] : memref<192x512x512xf32, #tpu.memory_space<hbm>> -> memref<1x64x512xf32, #tpu.memory_space<hbm>>
    %dma_start3A_57 = tpu.memref_squeeze %dma_start3A_56 : memref<1x64x512xf32, #tpu.memory_space<hbm>> -> memref<64x512xf32, #tpu.memory_space<hbm>>
    %dma_start3A_58 = arith.constant 0 : i32
    %dma_start3A_59 = tpu.memref_slice %arg2[%add3A_54, %mul3A_4, %dma_start3A_58] : memref<192x512x512xf32, #tpu.memory_space<hbm>> -> memref<1x64x512xf32, #tpu.memory_space<hbm>>
    %dma_start3A_60 = tpu.memref_squeeze %dma_start3A_59 : memref<1x64x512xf32, #tpu.memory_space<hbm>> -> memref<64x512xf32, #tpu.memory_space<hbm>>
    tpu.enqueue_dma source(%dma_start3A_60 : memref<64x512xf32, #tpu.memory_space<hbm>>) target(%arg6 : memref<64x512xf32, #tpu.memory_space<vmem>>) target_semaphore(%arg9 : memref<!tpu.dma_semaphore, #tpu.memory_space<semaphore_mem>>)
    %add3A_61 = arith.constant 0 : i32
    %add3A_62 = arith.addi %add3A_61, %shift_right_logical3A_1 : i32
    %shift_right_logical3A_63 = arith.constant 4 : i32
    %shift_right_logical3A_64 = arith.shrui %add3A_62, %shift_right_logical3A_63 : i32
    %and3A_65 = arith.constant 15 : i32
    %and3A_66 = arith.andi %add3A_62, %and3A_65 : i32
    %mul3A_67 = arith.constant 64 : i32
    %mul3A_68 = arith.muli %shift_right_logical3A_64, %mul3A_67 : i32
    %mul3A_69 = arith.constant 1101005 : i32
    %mul3A_70 = arith.muli %and3A_66, %mul3A_69 : i32
    %shift_right_logical3A_71 = arith.constant 18 : i32
    %shift_right_logical3A_72 = arith.shrui %mul3A_70, %shift_right_logical3A_71 : i32
    %add3A_73 = arith.addi %mul3A_68, %shift_right_logical3A_72 : i32
    %dma_wait3A = arith.constant 0 : i32
    %dma_wait3A_74 = tpu.memref_slice %arg2[%add3A_73, %mul3A_4, %dma_wait3A] : memref<192x512x512xf32, #tpu.memory_space<hbm>> -> memref<1x64x512xf32, #tpu.memory_space<hbm>>
    %dma_wait3A_75 = tpu.memref_squeeze %dma_wait3A_74 : memref<1x64x512xf32, #tpu.memory_space<hbm>> -> memref<64x512xf32, #tpu.memory_space<hbm>>
    %dma_wait3A_76 = arith.constant 0 : i32
    %dma_wait3A_77 = tpu.memref_slice %arg2[%add3A_73, %mul3A_4, %dma_wait3A_76] : memref<192x512x512xf32, #tpu.memory_space<hbm>> -> memref<1x64x512xf32, #tpu.memory_space<hbm>>
    %dma_wait3A_78 = tpu.memref_squeeze %dma_wait3A_77 : memref<1x64x512xf32, #tpu.memory_space<hbm>> -> memref<64x512xf32, #tpu.memory_space<hbm>>
    tpu.wait_dma2 semaphore(%arg7 : memref<!tpu.dma_semaphore, #tpu.memory_space<semaphore_mem>>) src(%dma_wait3A_78 : memref<64x512xf32, #tpu.memory_space<hbm>>) dst(%arg4 : memref<64x512xf32, #tpu.memory_space<vmem>>)
    %add3A_79 = arith.constant 0 : i32
    %add3A_80 = arith.addi %add3A_79, %shift_right_logical3A_1 : i32
    %dma_start3A_81 = arith.constant 0 : i32
    %dma_start3A_82 = tpu.memref_slice %arg3[%add3A_80, %mul3A_4, %dma_start3A_81] : memref<48x512x512xf32, #tpu.memory_space<hbm>> -> memref<1x64x512xf32, #tpu.memory_space<hbm>>
    %dma_start3A_83 = tpu.memref_squeeze %dma_start3A_82 : memref<1x64x512xf32, #tpu.memory_space<hbm>> -> memref<64x512xf32, #tpu.memory_space<hbm>>
    %dma_start3A_84 = arith.constant 0 : i32
    %dma_start3A_85 = tpu.memref_slice %arg3[%add3A_80, %mul3A_4, %dma_start3A_84] : memref<48x512x512xf32, #tpu.memory_space<hbm>> -> memref<1x64x512xf32, #tpu.memory_space<hbm>>
    %dma_start3A_86 = tpu.memref_squeeze %dma_start3A_85 : memref<1x64x512xf32, #tpu.memory_space<hbm>> -> memref<64x512xf32, #tpu.memory_space<hbm>>
    tpu.enqueue_dma source(%arg4 : memref<64x512xf32, #tpu.memory_space<vmem>>) target(%dma_start3A_86 : memref<64x512xf32, #tpu.memory_space<hbm>>) target_semaphore(%arg10 : memref<!tpu.dma_semaphore, #tpu.memory_space<semaphore_mem>>)
    %add3A_87 = arith.constant 0 : i32
    %add3A_88 = arith.addi %add3A_87, %shift_right_logical3A_1 : i32
    %dma_wait3A_89 = arith.constant 0 : i32
    %dma_wait3A_90 = tpu.memref_slice %arg3[%add3A_88, %mul3A_4, %dma_wait3A_89] : memref<48x512x512xf32, #tpu.memory_space<hbm>> -> memref<1x64x512xf32, #tpu.memory_space<hbm>>
    %dma_wait3A_91 = tpu.memref_squeeze %dma_wait3A_90 : memref<1x64x512xf32, #tpu.memory_space<hbm>> -> memref<64x512xf32, #tpu.memory_space<hbm>>
    %dma_wait3A_92 = arith.constant 0 : i32
    %dma_wait3A_93 = tpu.memref_slice %arg3[%add3A_88, %mul3A_4, %dma_wait3A_92] : memref<48x512x512xf32, #tpu.memory_space<hbm>> -> memref<1x64x512xf32, #tpu.memory_space<hbm>>
    %dma_wait3A_94 = tpu.memref_squeeze %dma_wait3A_93 : memref<1x64x512xf32, #tpu.memory_space<hbm>> -> memref<64x512xf32, #tpu.memory_space<hbm>>
    tpu.wait_dma2 semaphore(%arg10 : memref<!tpu.dma_semaphore, #tpu.memory_space<semaphore_mem>>) src(%arg4 : memref<64x512xf32, #tpu.memory_space<vmem>>) dst(%dma_wait3A_94 : memref<64x512xf32, #tpu.memory_space<hbm>>)
    %add3A_95 = arith.constant 12 : i32
    %add3A_96 = arith.addi %add3A_95, %shift_right_logical3A_1 : i32
    %shift_right_logical3A_97 = arith.constant 4 : i32
    %shift_right_logical3A_98 = arith.shrui %add3A_96, %shift_right_logical3A_97 : i32
    %and3A_99 = arith.constant 15 : i32
    %and3A_100 = arith.andi %add3A_96, %and3A_99 : i32
    %mul3A_101 = arith.constant 64 : i32
    %mul3A_102 = arith.muli %shift_right_logical3A_98, %mul3A_101 : i32
    %mul3A_103 = arith.constant 1101005 : i32
    %mul3A_104 = arith.muli %and3A_100, %mul3A_103 : i32
    %shift_right_logical3A_105 = arith.constant 18 : i32
    %shift_right_logical3A_106 = arith.shrui %mul3A_104, %shift_right_logical3A_105 : i32
    %add3A_107 = arith.addi %mul3A_102, %shift_right_logical3A_106 : i32
    %dma_start3A_108 = arith.constant 0 : i32
    %dma_start3A_109 = tpu.memref_slice %arg2[%add3A_107, %mul3A_4, %dma_start3A_108] : memref<192x512x512xf32, #tpu.memory_space<hbm>> -> memref<1x64x512xf32, #tpu.memory_space<hbm>>
    %dma_start3A_110 = tpu.memref_squeeze %dma_start3A_109 : memref<1x64x512xf32, #tpu.memory_space<hbm>> -> memref<64x512xf32, #tpu.memory_space<hbm>>
    %dma_start3A_111 = arith.constant 0 : i32
    %dma_start3A_112 = tpu.memref_slice %arg2[%add3A_107, %mul3A_4, %dma_start3A_111] : memref<192x512x512xf32, #tpu.memory_space<hbm>> -> memref<1x64x512xf32, #tpu.memory_space<hbm>>
    %dma_start3A_113 = tpu.memref_squeeze %dma_start3A_112 : memref<1x64x512xf32, #tpu.memory_space<hbm>> -> memref<64x512xf32, #tpu.memory_space<hbm>>
    tpu.enqueue_dma source(%dma_start3A_113 : memref<64x512xf32, #tpu.memory_space<hbm>>) target(%arg4 : memref<64x512xf32, #tpu.memory_space<vmem>>) target_semaphore(%arg7 : memref<!tpu.dma_semaphore, #tpu.memory_space<semaphore_mem>>)
    %add3A_114 = arith.constant 4 : i32
    %add3A_115 = arith.addi %add3A_114, %shift_right_logical3A_1 : i32
    %shift_right_logical3A_116 = arith.constant 4 : i32
    %shift_right_logical3A_117 = arith.shrui %add3A_115, %shift_right_logical3A_116 : i32
    %and3A_118 = arith.constant 15 : i32
    %and3A_119 = arith.andi %add3A_115, %and3A_118 : i32
    %mul3A_120 = arith.constant 64 : i32
    %mul3A_121 = arith.muli %shift_right_logical3A_117, %mul3A_120 : i32
    %mul3A_122 = arith.constant 1101005 : i32
    %mul3A_123 = arith.muli %and3A_119, %mul3A_122 : i32
    %shift_right_logical3A_124 = arith.constant 18 : i32
    %shift_right_logical3A_125 = arith.shrui %mul3A_123, %shift_right_logical3A_124 : i32
    %add3A_126 = arith.addi %mul3A_121, %shift_right_logical3A_125 : i32
    %dma_wait3A_127 = arith.constant 0 : i32
    %dma_wait3A_128 = tpu.memref_slice %arg2[%add3A_126, %mul3A_4, %dma_wait3A_127] : memref<192x512x512xf32, #tpu.memory_space<hbm>> -> memref<1x64x512xf32, #tpu.memory_space<hbm>>
    %dma_wait3A_129 = tpu.memref_squeeze %dma_wait3A_128 : memref<1x64x512xf32, #tpu.memory_space<hbm>> -> memref<64x512xf32, #tpu.memory_space<hbm>>
    %dma_wait3A_130 = arith.constant 0 : i32
    %dma_wait3A_131 = tpu.memref_slice %arg2[%add3A_126, %mul3A_4, %dma_wait3A_130] : memref<192x512x512xf32, #tpu.memory_space<hbm>> -> memref<1x64x512xf32, #tpu.memory_space<hbm>>
    %dma_wait3A_132 = tpu.memref_squeeze %dma_wait3A_131 : memref<1x64x512xf32, #tpu.memory_space<hbm>> -> memref<64x512xf32, #tpu.memory_space<hbm>>
    tpu.wait_dma2 semaphore(%arg8 : memref<!tpu.dma_semaphore, #tpu.memory_space<semaphore_mem>>) src(%dma_wait3A_132 : memref<64x512xf32, #tpu.memory_space<hbm>>) dst(%arg5 : memref<64x512xf32, #tpu.memory_space<vmem>>)
    %add3A_133 = arith.constant 4 : i32
    %add3A_134 = arith.addi %add3A_133, %shift_right_logical3A_1 : i32
    %dma_start3A_135 = arith.constant 0 : i32
    %dma_start3A_136 = tpu.memref_slice %arg3[%add3A_134, %mul3A_4, %dma_start3A_135] : memref<48x512x512xf32, #tpu.memory_space<hbm>> -> memref<1x64x512xf32, #tpu.memory_space<hbm>>
    %dma_start3A_137 = tpu.memref_squeeze %dma_start3A_136 : memref<1x64x512xf32, #tpu.memory_space<hbm>> -> memref<64x512xf32, #tpu.memory_space<hbm>>
    %dma_start3A_138 = arith.constant 0 : i32
    %dma_start3A_139 = tpu.memref_slice %arg3[%add3A_134, %mul3A_4, %dma_start3A_138] : memref<48x512x512xf32, #tpu.memory_space<hbm>> -> memref<1x64x512xf32, #tpu.memory_space<hbm>>
    %dma_start3A_140 = tpu.memref_squeeze %dma_start3A_139 : memref<1x64x512xf32, #tpu.memory_space<hbm>> -> memref<64x512xf32, #tpu.memory_space<hbm>>
    tpu.enqueue_dma source(%arg5 : memref<64x512xf32, #tpu.memory_space<vmem>>) target(%dma_start3A_140 : memref<64x512xf32, #tpu.memory_space<hbm>>) target_semaphore(%arg11 : memref<!tpu.dma_semaphore, #tpu.memory_space<semaphore_mem>>)
    %add3A_141 = arith.constant 4 : i32
    %add3A_142 = arith.addi %add3A_141, %shift_right_logical3A_1 : i32
    %dma_wait3A_143 = arith.constant 0 : i32
    %dma_wait3A_144 = tpu.memref_slice %arg3[%add3A_142, %mul3A_4, %dma_wait3A_143] : memref<48x512x512xf32, #tpu.memory_space<hbm>> -> memref<1x64x512xf32, #tpu.memory_space<hbm>>
    %dma_wait3A_145 = tpu.memref_squeeze %dma_wait3A_144 : memref<1x64x512xf32, #tpu.memory_space<hbm>> -> memref<64x512xf32, #tpu.memory_space<hbm>>
    %dma_wait3A_146 = arith.constant 0 : i32
    %dma_wait3A_147 = tpu.memref_slice %arg3[%add3A_142, %mul3A_4, %dma_wait3A_146] : memref<48x512x512xf32, #tpu.memory_space<hbm>> -> memref<1x64x512xf32, #tpu.memory_space<hbm>>
    %dma_wait3A_148 = tpu.memref_squeeze %dma_wait3A_147 : memref<1x64x512xf32, #tpu.memory_space<hbm>> -> memref<64x512xf32, #tpu.memory_space<hbm>>
    tpu.wait_dma2 semaphore(%arg11 : memref<!tpu.dma_semaphore, #tpu.memory_space<semaphore_mem>>) src(%arg5 : memref<64x512xf32, #tpu.memory_space<vmem>>) dst(%dma_wait3A_148 : memref<64x512xf32, #tpu.memory_space<hbm>>)
    %add3A_149 = arith.constant 16 : i32
    %add3A_150 = arith.addi %add3A_149, %shift_right_logical3A_1 : i32
    %shift_right_logical3A_151 = arith.constant 4 : i32
    %shift_right_logical3A_152 = arith.shrui %add3A_150, %shift_right_logical3A_151 : i32
    %and3A_153 = arith.constant 15 : i32
    %and3A_154 = arith.andi %add3A_150, %and3A_153 : i32
    %mul3A_155 = arith.constant 64 : i32
    %mul3A_156 = arith.muli %shift_right_logical3A_152, %mul3A_155 : i32
    %mul3A_157 = arith.constant 1101005 : i32
    %mul3A_158 = arith.muli %and3A_154, %mul3A_157 : i32
    %shift_right_logical3A_159 = arith.constant 18 : i32
    %shift_right_logical3A_160 = arith.shrui %mul3A_158, %shift_right_logical3A_159 : i32
    %add3A_161 = arith.addi %mul3A_156, %shift_right_logical3A_160 : i32
    %dma_start3A_162 = arith.constant 0 : i32
    %dma_start3A_163 = tpu.memref_slice %arg2[%add3A_161, %mul3A_4, %dma_start3A_162] : memref<192x512x512xf32, #tpu.memory_space<hbm>> -> memref<1x64x512xf32, #tpu.memory_space<hbm>>
    %dma_start3A_164 = tpu.memref_squeeze %dma_start3A_163 : memref<1x64x512xf32, #tpu.memory_space<hbm>> -> memref<64x512xf32, #tpu.memory_space<hbm>>
    %dma_start3A_165 = arith.constant 0 : i32
    %dma_start3A_166 = tpu.memref_slice %arg2[%add3A_161, %mul3A_4, %dma_start3A_165] : memref<192x512x512xf32, #tpu.memory_space<hbm>> -> memref<1x64x512xf32, #tpu.memory_space<hbm>>
    %dma_start3A_167 = tpu.memref_squeeze %dma_start3A_166 : memref<1x64x512xf32, #tpu.memory_space<hbm>> -> memref<64x512xf32, #tpu.memory_space<hbm>>
    tpu.enqueue_dma source(%dma_start3A_167 : memref<64x512xf32, #tpu.memory_space<hbm>>) target(%arg5 : memref<64x512xf32, #tpu.memory_space<vmem>>) target_semaphore(%arg8 : memref<!tpu.dma_semaphore, #tpu.memory_space<semaphore_mem>>)
    %add3A_168 = arith.constant 8 : i32
    %add3A_169 = arith.addi %add3A_168, %shift_right_logical3A_1 : i32
    %shift_right_logical3A_170 = arith.constant 4 : i32
    %shift_right_logical3A_171 = arith.shrui %add3A_169, %shift_right_logical3A_170 : i32
    %and3A_172 = arith.constant 15 : i32
    %and3A_173 = arith.andi %add3A_169, %and3A_172 : i32
    %mul3A_174 = arith.constant 64 : i32
    %mul3A_175 = arith.muli %shift_right_logical3A_171, %mul3A_174 : i32
    %mul3A_176 = arith.constant 1101005 : i32
    %mul3A_177 = arith.muli %and3A_173, %mul3A_176 : i32
    %shift_right_logical3A_178 = arith.constant 18 : i32
    %shift_right_logical3A_179 = arith.shrui %mul3A_177, %shift_right_logical3A_178 : i32
    %add3A_180 = arith.addi %mul3A_175, %shift_right_logical3A_179 : i32
    %dma_wait3A_181 = arith.constant 0 : i32
    %dma_wait3A_182 = tpu.memref_slice %arg2[%add3A_180, %mul3A_4, %dma_wait3A_181] : memref<192x512x512xf32, #tpu.memory_space<hbm>> -> memref<1x64x512xf32, #tpu.memory_space<hbm>>
    %dma_wait3A_183 = tpu.memref_squeeze %dma_wait3A_182 : memref<1x64x512xf32, #tpu.memory_space<hbm>> -> memref<64x512xf32, #tpu.memory_space<hbm>>
    %dma_wait3A_184 = arith.constant 0 : i32
    %dma_wait3A_185 = tpu.memref_slice %arg2[%add3A_180, %mul3A_4, %dma_wait3A_184] : memref<192x512x512xf32, #tpu.memory_space<hbm>> -> memref<1x64x512xf32, #tpu.memory_space<hbm>>
    %dma_wait3A_186 = tpu.memref_squeeze %dma_wait3A_185 : memref<1x64x512xf32, #tpu.memory_space<hbm>> -> memref<64x512xf32, #tpu.memory_space<hbm>>
    tpu.wait_dma2 semaphore(%arg9 : memref<!tpu.dma_semaphore, #tpu.memory_space<semaphore_mem>>) src(%dma_wait3A_186 : memref<64x512xf32, #tpu.memory_space<hbm>>) dst(%arg6 : memref<64x512xf32, #tpu.memory_space<vmem>>)
    %add3A_187 = arith.constant 8 : i32
    %add3A_188 = arith.addi %add3A_187, %shift_right_logical3A_1 : i32
    %dma_start3A_189 = arith.constant 0 : i32
    %dma_start3A_190 = tpu.memref_slice %arg3[%add3A_188, %mul3A_4, %dma_start3A_189] : memref<48x512x512xf32, #tpu.memory_space<hbm>> -> memref<1x64x512xf32, #tpu.memory_space<hbm>>
    %dma_start3A_191 = tpu.memref_squeeze %dma_start3A_190 : memref<1x64x512xf32, #tpu.memory_space<hbm>> -> memref<64x512xf32, #tpu.memory_space<hbm>>
    %dma_start3A_192 = arith.constant 0 : i32
    %dma_start3A_193 = tpu.memref_slice %arg3[%add3A_188, %mul3A_4, %dma_start3A_192] : memref<48x512x512xf32, #tpu.memory_space<hbm>> -> memref<1x64x512xf32, #tpu.memory_space<hbm>>
    %dma_start3A_194 = tpu.memref_squeeze %dma_start3A_193 : memref<1x64x512xf32, #tpu.memory_space<hbm>> -> memref<64x512xf32, #tpu.memory_space<hbm>>
    tpu.enqueue_dma source(%arg6 : memref<64x512xf32, #tpu.memory_space<vmem>>) target(%dma_start3A_194 : memref<64x512xf32, #tpu.memory_space<hbm>>) target_semaphore(%arg12 : memref<!tpu.dma_semaphore, #tpu.memory_space<semaphore_mem>>)
    %add3A_195 = arith.constant 8 : i32
    %add3A_196 = arith.addi %add3A_195, %shift_right_logical3A_1 : i32
    %dma_wait3A_197 = arith.constant 0 : i32
    %dma_wait3A_198 = tpu.memref_slice %arg3[%add3A_196, %mul3A_4, %dma_wait3A_197] : memref<48x512x512xf32, #tpu.memory_space<hbm>> -> memref<1x64x512xf32, #tpu.memory_space<hbm>>
    %dma_wait3A_199 = tpu.memref_squeeze %dma_wait3A_198 : memref<1x64x512xf32, #tpu.memory_space<hbm>> -> memref<64x512xf32, #tpu.memory_space<hbm>>
    %dma_wait3A_200 = arith.constant 0 : i32
    %dma_wait3A_201 = tpu.memref_slice %arg3[%add3A_196, %mul3A_4, %dma_wait3A_200] : memref<48x512x512xf32, #tpu.memory_space<hbm>> -> memref<1x64x512xf32, #tpu.memory_space<hbm>>
    %dma_wait3A_202 = tpu.memref_squeeze %dma_wait3A_201 : memref<1x64x512xf32, #tpu.memory_space<hbm>> -> memref<64x512xf32, #tpu.memory_space<hbm>>
    tpu.wait_dma2 semaphore(%arg12 : memref<!tpu.dma_semaphore, #tpu.memory_space<semaphore_mem>>) src(%arg6 : memref<64x512xf32, #tpu.memory_space<vmem>>) dst(%dma_wait3A_202 : memref<64x512xf32, #tpu.memory_space<hbm>>)
    %add3A_203 = arith.constant 20 : i32
    %add3A_204 = arith.addi %add3A_203, %shift_right_logical3A_1 : i32
    %shift_right_logical3A_205 = arith.constant 4 : i32
    %shift_right_logical3A_206 = arith.shrui %add3A_204, %shift_right_logical3A_205 : i32
    %and3A_207 = arith.constant 15 : i32
    %and3A_208 = arith.andi %add3A_204, %and3A_207 : i32
    %mul3A_209 = arith.constant 64 : i32
    %mul3A_210 = arith.muli %shift_right_logical3A_206, %mul3A_209 : i32
    %mul3A_211 = arith.constant 1101005 : i32
    %mul3A_212 = arith.muli %and3A_208, %mul3A_211 : i32
    %shift_right_logical3A_213 = arith.constant 18 : i32
    %shift_right_logical3A_214 = arith.shrui %mul3A_212, %shift_right_logical3A_213 : i32
    %add3A_215 = arith.addi %mul3A_210, %shift_right_logical3A_214 : i32
    %dma_start3A_216 = arith.constant 0 : i32
    %dma_start3A_217 = tpu.memref_slice %arg2[%add3A_215, %mul3A_4, %dma_start3A_216] : memref<192x512x512xf32, #tpu.memory_space<hbm>> -> memref<1x64x512xf32, #tpu.memory_space<hbm>>
    %dma_start3A_218 = tpu.memref_squeeze %dma_start3A_217 : memref<1x64x512xf32, #tpu.memory_space<hbm>> -> memref<64x512xf32, #tpu.memory_space<hbm>>
    %dma_start3A_219 = arith.constant 0 : i32
    %dma_start3A_220 = tpu.memref_slice %arg2[%add3A_215, %mul3A_4, %dma_start3A_219] : memref<192x512x512xf32, #tpu.memory_space<hbm>> -> memref<1x64x512xf32, #tpu.memory_space<hbm>>
    %dma_start3A_221 = tpu.memref_squeeze %dma_start3A_220 : memref<1x64x512xf32, #tpu.memory_space<hbm>> -> memref<64x512xf32, #tpu.memory_space<hbm>>
    tpu.enqueue_dma source(%dma_start3A_221 : memref<64x512xf32, #tpu.memory_space<hbm>>) target(%arg6 : memref<64x512xf32, #tpu.memory_space<vmem>>) target_semaphore(%arg9 : memref<!tpu.dma_semaphore, #tpu.memory_space<semaphore_mem>>)
    %add3A_222 = arith.constant 12 : i32
    %add3A_223 = arith.addi %add3A_222, %shift_right_logical3A_1 : i32
    %shift_right_logical3A_224 = arith.constant 4 : i32
    %shift_right_logical3A_225 = arith.shrui %add3A_223, %shift_right_logical3A_224 : i32
    %and3A_226 = arith.constant 15 : i32
    %and3A_227 = arith.andi %add3A_223, %and3A_226 : i32
    %mul3A_228 = arith.constant 64 : i32
    %mul3A_229 = arith.muli %shift_right_logical3A_225, %mul3A_228 : i32
    %mul3A_230 = arith.constant 1101005 : i32
    %mul3A_231 = arith.muli %and3A_227, %mul3A_230 : i32
    %shift_right_logical3A_232 = arith.constant 18 : i32
    %shift_right_logical3A_233 = arith.shrui %mul3A_231, %shift_right_logical3A_232 : i32
    %add3A_234 = arith.addi %mul3A_229, %shift_right_logical3A_233 : i32
    %dma_wait3A_235 = arith.constant 0 : i32
    %dma_wait3A_236 = tpu.memref_slice %arg2[%add3A_234, %mul3A_4, %dma_wait3A_235] : memref<192x512x512xf32, #tpu.memory_space<hbm>> -> memref<1x64x512xf32, #tpu.memory_space<hbm>>
    %dma_wait3A_237 = tpu.memref_squeeze %dma_wait3A_236 : memref<1x64x512xf32, #tpu.memory_space<hbm>> -> memref<64x512xf32, #tpu.memory_space<hbm>>
    %dma_wait3A_238 = arith.constant 0 : i32
    %dma_wait3A_239 = tpu.memref_slice %arg2[%add3A_234, %mul3A_4, %dma_wait3A_238] : memref<192x512x512xf32, #tpu.memory_space<hbm>> -> memref<1x64x512xf32, #tpu.memory_space<hbm>>
    %dma_wait3A_240 = tpu.memref_squeeze %dma_wait3A_239 : memref<1x64x512xf32, #tpu.memory_space<hbm>> -> memref<64x512xf32, #tpu.memory_space<hbm>>
    tpu.wait_dma2 semaphore(%arg7 : memref<!tpu.dma_semaphore, #tpu.memory_space<semaphore_mem>>) src(%dma_wait3A_240 : memref<64x512xf32, #tpu.memory_space<hbm>>) dst(%arg4 : memref<64x512xf32, #tpu.memory_space<vmem>>)
    %add3A_241 = arith.constant 12 : i32
    %add3A_242 = arith.addi %add3A_241, %shift_right_logical3A_1 : i32
    %dma_start3A_243 = arith.constant 0 : i32
    %dma_start3A_244 = tpu.memref_slice %arg3[%add3A_242, %mul3A_4, %dma_start3A_243] : memref<48x512x512xf32, #tpu.memory_space<hbm>> -> memref<1x64x512xf32, #tpu.memory_space<hbm>>
    %dma_start3A_245 = tpu.memref_squeeze %dma_start3A_244 : memref<1x64x512xf32, #tpu.memory_space<hbm>> -> memref<64x512xf32, #tpu.memory_space<hbm>>
    %dma_start3A_246 = arith.constant 0 : i32
    %dma_start3A_247 = tpu.memref_slice %arg3[%add3A_242, %mul3A_4, %dma_start3A_246] : memref<48x512x512xf32, #tpu.memory_space<hbm>> -> memref<1x64x512xf32, #tpu.memory_space<hbm>>
    %dma_start3A_248 = tpu.memref_squeeze %dma_start3A_247 : memref<1x64x512xf32, #tpu.memory_space<hbm>> -> memref<64x512xf32, #tpu.memory_space<hbm>>
    tpu.enqueue_dma source(%arg4 : memref<64x512xf32, #tpu.memory_space<vmem>>) target(%dma_start3A_248 : memref<64x512xf32, #tpu.memory_space<hbm>>) target_semaphore(%arg10 : memref<!tpu.dma_semaphore, #tpu.memory_space<semaphore_mem>>)
    %add3A_249 = arith.constant 12 : i32
    %add3A_250 = arith.addi %add3A_249, %shift_right_logical3A_1 : i32
    %dma_wait3A_251 = arith.constant 0 : i32
    %dma_wait3A_252 = tpu.memref_slice %arg3[%add3A_250, %mul3A_4, %dma_wait3A_251] : memref<48x512x512xf32, #tpu.memory_space<hbm>> -> memref<1x64x512xf32, #tpu.memory_space<hbm>>
    %dma_wait3A_253 = tpu.memref_squeeze %dma_wait3A_252 : memref<1x64x512xf32, #tpu.memory_space<hbm>> -> memref<64x512xf32, #tpu.memory_space<hbm>>
    %dma_wait3A_254 = arith.constant 0 : i32
    %dma_wait3A_255 = tpu.memref_slice %arg3[%add3A_250, %mul3A_4, %dma_wait3A_254] : memref<48x512x512xf32, #tpu.memory_space<hbm>> -> memref<1x64x512xf32, #tpu.memory_space<hbm>>
    %dma_wait3A_256 = tpu.memref_squeeze %dma_wait3A_255 : memref<1x64x512xf32, #tpu.memory_space<hbm>> -> memref<64x512xf32, #tpu.memory_space<hbm>>
    tpu.wait_dma2 semaphore(%arg10 : memref<!tpu.dma_semaphore, #tpu.memory_space<semaphore_mem>>) src(%arg4 : memref<64x512xf32, #tpu.memory_space<vmem>>) dst(%dma_wait3A_256 : memref<64x512xf32, #tpu.memory_space<hbm>>)
    %add3A_257 = arith.constant 24 : i32
    %add3A_258 = arith.addi %add3A_257, %shift_right_logical3A_1 : i32
    %shift_right_logical3A_259 = arith.constant 4 : i32
    %shift_right_logical3A_260 = arith.shrui %add3A_258, %shift_right_logical3A_259 : i32
    %and3A_261 = arith.constant 15 : i32
    %and3A_262 = arith.andi %add3A_258, %and3A_261 : i32
    %mul3A_263 = arith.constant 64 : i32
    %mul3A_264 = arith.muli %shift_right_logical3A_260, %mul3A_263 : i32
    %mul3A_265 = arith.constant 1101005 : i32
    %mul3A_266 = arith.muli %and3A_262, %mul3A_265 : i32
    %shift_right_logical3A_267 = arith.constant 18 : i32
    %shift_right_logical3A_268 = arith.shrui %mul3A_266, %shift_right_logical3A_267 : i32
    %add3A_269 = arith.addi %mul3A_264, %shift_right_logical3A_268 : i32
    %dma_start3A_270 = arith.constant 0 : i32
    %dma_start3A_271 = tpu.memref_slice %arg2[%add3A_269, %mul3A_4, %dma_start3A_270] : memref<192x512x512xf32, #tpu.memory_space<hbm>> -> memref<1x64x512xf32, #tpu.memory_space<hbm>>
    %dma_start3A_272 = tpu.memref_squeeze %dma_start3A_271 : memref<1x64x512xf32, #tpu.memory_space<hbm>> -> memref<64x512xf32, #tpu.memory_space<hbm>>
    %dma_start3A_273 = arith.constant 0 : i32
    %dma_start3A_274 = tpu.memref_slice %arg2[%add3A_269, %mul3A_4, %dma_start3A_273] : memref<192x512x512xf32, #tpu.memory_space<hbm>> -> memref<1x64x512xf32, #tpu.memory_space<hbm>>
    %dma_start3A_275 = tpu.memref_squeeze %dma_start3A_274 : memref<1x64x512xf32, #tpu.memory_space<hbm>> -> memref<64x512xf32, #tpu.memory_space<hbm>>
    tpu.enqueue_dma source(%dma_start3A_275 : memref<64x512xf32, #tpu.memory_space<hbm>>) target(%arg4 : memref<64x512xf32, #tpu.memory_space<vmem>>) target_semaphore(%arg7 : memref<!tpu.dma_semaphore, #tpu.memory_space<semaphore_mem>>)
    %add3A_276 = arith.constant 16 : i32
    %add3A_277 = arith.addi %add3A_276, %shift_right_logical3A_1 : i32
    %shift_right_logical3A_278 = arith.constant 4 : i32
    %shift_right_logical3A_279 = arith.shrui %add3A_277, %shift_right_logical3A_278 : i32
    %and3A_280 = arith.constant 15 : i32
    %and3A_281 = arith.andi %add3A_277, %and3A_280 : i32
    %mul3A_282 = arith.constant 64 : i32
    %mul3A_283 = arith.muli %shift_right_logical3A_279, %mul3A_282 : i32
    %mul3A_284 = arith.constant 1101005 : i32
    %mul3A_285 = arith.muli %and3A_281, %mul3A_284 : i32
    %shift_right_logical3A_286 = arith.constant 18 : i32
    %shift_right_logical3A_287 = arith.shrui %mul3A_285, %shift_right_logical3A_286 : i32
    %add3A_288 = arith.addi %mul3A_283, %shift_right_logical3A_287 : i32
    %dma_wait3A_289 = arith.constant 0 : i32
    %dma_wait3A_290 = tpu.memref_slice %arg2[%add3A_288, %mul3A_4, %dma_wait3A_289] : memref<192x512x512xf32, #tpu.memory_space<hbm>> -> memref<1x64x512xf32, #tpu.memory_space<hbm>>
    %dma_wait3A_291 = tpu.memref_squeeze %dma_wait3A_290 : memref<1x64x512xf32, #tpu.memory_space<hbm>> -> memref<64x512xf32, #tpu.memory_space<hbm>>
    %dma_wait3A_292 = arith.constant 0 : i32
    %dma_wait3A_293 = tpu.memref_slice %arg2[%add3A_288, %mul3A_4, %dma_wait3A_292] : memref<192x512x512xf32, #tpu.memory_space<hbm>> -> memref<1x64x512xf32, #tpu.memory_space<hbm>>
    %dma_wait3A_294 = tpu.memref_squeeze %dma_wait3A_293 : memref<1x64x512xf32, #tpu.memory_space<hbm>> -> memref<64x512xf32, #tpu.memory_space<hbm>>
    tpu.wait_dma2 semaphore(%arg8 : memref<!tpu.dma_semaphore, #tpu.memory_space<semaphore_mem>>) src(%dma_wait3A_294 : memref<64x512xf32, #tpu.memory_space<hbm>>) dst(%arg5 : memref<64x512xf32, #tpu.memory_space<vmem>>)
    %add3A_295 = arith.constant 16 : i32
    %add3A_296 = arith.addi %add3A_295, %shift_right_logical3A_1 : i32
    %dma_start3A_297 = arith.constant 0 : i32
    %dma_start3A_298 = tpu.memref_slice %arg3[%add3A_296, %mul3A_4, %dma_start3A_297] : memref<48x512x512xf32, #tpu.memory_space<hbm>> -> memref<1x64x512xf32, #tpu.memory_space<hbm>>
    %dma_start3A_299 = tpu.memref_squeeze %dma_start3A_298 : memref<1x64x512xf32, #tpu.memory_space<hbm>> -> memref<64x512xf32, #tpu.memory_space<hbm>>
    %dma_start3A_300 = arith.constant 0 : i32
    %dma_start3A_301 = tpu.memref_slice %arg3[%add3A_296, %mul3A_4, %dma_start3A_300] : memref<48x512x512xf32, #tpu.memory_space<hbm>> -> memref<1x64x512xf32, #tpu.memory_space<hbm>>
    %dma_start3A_302 = tpu.memref_squeeze %dma_start3A_301 : memref<1x64x512xf32, #tpu.memory_space<hbm>> -> memref<64x512xf32, #tpu.memory_space<hbm>>
    tpu.enqueue_dma source(%arg5 : memref<64x512xf32, #tpu.memory_space<vmem>>) target(%dma_start3A_302 : memref<64x512xf32, #tpu.memory_space<hbm>>) target_semaphore(%arg11 : memref<!tpu.dma_semaphore, #tpu.memory_space<semaphore_mem>>)
    %add3A_303 = arith.constant 16 : i32
    %add3A_304 = arith.addi %add3A_303, %shift_right_logical3A_1 : i32
    %dma_wait3A_305 = arith.constant 0 : i32
    %dma_wait3A_306 = tpu.memref_slice %arg3[%add3A_304, %mul3A_4, %dma_wait3A_305] : memref<48x512x512xf32, #tpu.memory_space<hbm>> -> memref<1x64x512xf32, #tpu.memory_space<hbm>>
    %dma_wait3A_307 = tpu.memref_squeeze %dma_wait3A_306 : memref<1x64x512xf32, #tpu.memory_space<hbm>> -> memref<64x512xf32, #tpu.memory_space<hbm>>
    %dma_wait3A_308 = arith.constant 0 : i32
    %dma_wait3A_309 = tpu.memref_slice %arg3[%add3A_304, %mul3A_4, %dma_wait3A_308] : memref<48x512x512xf32, #tpu.memory_space<hbm>> -> memref<1x64x512xf32, #tpu.memory_space<hbm>>
    %dma_wait3A_310 = tpu.memref_squeeze %dma_wait3A_309 : memref<1x64x512xf32, #tpu.memory_space<hbm>> -> memref<64x512xf32, #tpu.memory_space<hbm>>
    tpu.wait_dma2 semaphore(%arg11 : memref<!tpu.dma_semaphore, #tpu.memory_space<semaphore_mem>>) src(%arg5 : memref<64x512xf32, #tpu.memory_space<vmem>>) dst(%dma_wait3A_310 : memref<64x512xf32, #tpu.memory_space<hbm>>)
    %add3A_311 = arith.constant 28 : i32
    %add3A_312 = arith.addi %add3A_311, %shift_right_logical3A_1 : i32
    %shift_right_logical3A_313 = arith.constant 4 : i32
    %shift_right_logical3A_314 = arith.shrui %add3A_312, %shift_right_logical3A_313 : i32
    %and3A_315 = arith.constant 15 : i32
    %and3A_316 = arith.andi %add3A_312, %and3A_315 : i32
    %mul3A_317 = arith.constant 64 : i32
    %mul3A_318 = arith.muli %shift_right_logical3A_314, %mul3A_317 : i32
    %mul3A_319 = arith.constant 1101005 : i32
    %mul3A_320 = arith.muli %and3A_316, %mul3A_319 : i32
    %shift_right_logical3A_321 = arith.constant 18 : i32
    %shift_right_logical3A_322 = arith.shrui %mul3A_320, %shift_right_logical3A_321 : i32
    %add3A_323 = arith.addi %mul3A_318, %shift_right_logical3A_322 : i32
    %dma_start3A_324 = arith.constant 0 : i32
    %dma_start3A_325 = tpu.memref_slice %arg2[%add3A_323, %mul3A_4, %dma_start3A_324] : memref<192x512x512xf32, #tpu.memory_space<hbm>> -> memref<1x64x512xf32, #tpu.memory_space<hbm>>
    %dma_start3A_326 = tpu.memref_squeeze %dma_start3A_325 : memref<1x64x512xf32, #tpu.memory_space<hbm>> -> memref<64x512xf32, #tpu.memory_space<hbm>>
    %dma_start3A_327 = arith.constant 0 : i32
    %dma_start3A_328 = tpu.memref_slice %arg2[%add3A_323, %mul3A_4, %dma_start3A_327] : memref<192x512x512xf32, #tpu.memory_space<hbm>> -> memref<1x64x512xf32, #tpu.memory_space<hbm>>
    %dma_start3A_329 = tpu.memref_squeeze %dma_start3A_328 : memref<1x64x512xf32, #tpu.memory_space<hbm>> -> memref<64x512xf32, #tpu.memory_space<hbm>>
    tpu.enqueue_dma source(%dma_start3A_329 : memref<64x512xf32, #tpu.memory_space<hbm>>) target(%arg5 : memref<64x512xf32, #tpu.memory_space<vmem>>) target_semaphore(%arg8 : memref<!tpu.dma_semaphore, #tpu.memory_space<semaphore_mem>>)
    %add3A_330 = arith.constant 20 : i32
    %add3A_331 = arith.addi %add3A_330, %shift_right_logical3A_1 : i32
    %shift_right_logical3A_332 = arith.constant 4 : i32
    %shift_right_logical3A_333 = arith.shrui %add3A_331, %shift_right_logical3A_332 : i32
    %and3A_334 = arith.constant 15 : i32
    %and3A_335 = arith.andi %add3A_331, %and3A_334 : i32
    %mul3A_336 = arith.constant 64 : i32
    %mul3A_337 = arith.muli %shift_right_logical3A_333, %mul3A_336 : i32
    %mul3A_338 = arith.constant 1101005 : i32
    %mul3A_339 = arith.muli %and3A_335, %mul3A_338 : i32
    %shift_right_logical3A_340 = arith.constant 18 : i32
    %shift_right_logical3A_341 = arith.shrui %mul3A_339, %shift_right_logical3A_340 : i32
    %add3A_342 = arith.addi %mul3A_337, %shift_right_logical3A_341 : i32
    %dma_wait3A_343 = arith.constant 0 : i32
    %dma_wait3A_344 = tpu.memref_slice %arg2[%add3A_342, %mul3A_4, %dma_wait3A_343] : memref<192x512x512xf32, #tpu.memory_space<hbm>> -> memref<1x64x512xf32, #tpu.memory_space<hbm>>
    %dma_wait3A_345 = tpu.memref_squeeze %dma_wait3A_344 : memref<1x64x512xf32, #tpu.memory_space<hbm>> -> memref<64x512xf32, #tpu.memory_space<hbm>>
    %dma_wait3A_346 = arith.constant 0 : i32
    %dma_wait3A_347 = tpu.memref_slice %arg2[%add3A_342, %mul3A_4, %dma_wait3A_346] : memref<192x512x512xf32, #tpu.memory_space<hbm>> -> memref<1x64x512xf32, #tpu.memory_space<hbm>>
    %dma_wait3A_348 = tpu.memref_squeeze %dma_wait3A_347 : memref<1x64x512xf32, #tpu.memory_space<hbm>> -> memref<64x512xf32, #tpu.memory_space<hbm>>
    tpu.wait_dma2 semaphore(%arg9 : memref<!tpu.dma_semaphore, #tpu.memory_space<semaphore_mem>>) src(%dma_wait3A_348 : memref<64x512xf32, #tpu.memory_space<hbm>>) dst(%arg6 : memref<64x512xf32, #tpu.memory_space<vmem>>)
    %add3A_349 = arith.constant 20 : i32
    %add3A_350 = arith.addi %add3A_349, %shift_right_logical3A_1 : i32
    %dma_start3A_351 = arith.constant 0 : i32
    %dma_start3A_352 = tpu.memref_slice %arg3[%add3A_350, %mul3A_4, %dma_start3A_351] : memref<48x512x512xf32, #tpu.memory_space<hbm>> -> memref<1x64x512xf32, #tpu.memory_space<hbm>>
    %dma_start3A_353 = tpu.memref_squeeze %dma_start3A_352 : memref<1x64x512xf32, #tpu.memory_space<hbm>> -> memref<64x512xf32, #tpu.memory_space<hbm>>
    %dma_start3A_354 = arith.constant 0 : i32
    %dma_start3A_355 = tpu.memref_slice %arg3[%add3A_350, %mul3A_4, %dma_start3A_354] : memref<48x512x512xf32, #tpu.memory_space<hbm>> -> memref<1x64x512xf32, #tpu.memory_space<hbm>>
    %dma_start3A_356 = tpu.memref_squeeze %dma_start3A_355 : memref<1x64x512xf32, #tpu.memory_space<hbm>> -> memref<64x512xf32, #tpu.memory_space<hbm>>
    tpu.enqueue_dma source(%arg6 : memref<64x512xf32, #tpu.memory_space<vmem>>) target(%dma_start3A_356 : memref<64x512xf32, #tpu.memory_space<hbm>>) target_semaphore(%arg12 : memref<!tpu.dma_semaphore, #tpu.memory_space<semaphore_mem>>)
    %add3A_357 = arith.constant 20 : i32
    %add3A_358 = arith.addi %add3A_357, %shift_right_logical3A_1 : i32
    %dma_wait3A_359 = arith.constant 0 : i32
    %dma_wait3A_360 = tpu.memref_slice %arg3[%add3A_358, %mul3A_4, %dma_wait3A_359] : memref<48x512x512xf32, #tpu.memory_space<hbm>> -> memref<1x64x512xf32, #tpu.memory_space<hbm>>
    %dma_wait3A_361 = tpu.memref_squeeze %dma_wait3A_360 : memref<1x64x512xf32, #tpu.memory_space<hbm>> -> memref<64x512xf32, #tpu.memory_space<hbm>>
    %dma_wait3A_362 = arith.constant 0 : i32
    %dma_wait3A_363 = tpu.memref_slice %arg3[%add3A_358, %mul3A_4, %dma_wait3A_362] : memref<48x512x512xf32, #tpu.memory_space<hbm>> -> memref<1x64x512xf32, #tpu.memory_space<hbm>>
    %dma_wait3A_364 = tpu.memref_squeeze %dma_wait3A_363 : memref<1x64x512xf32, #tpu.memory_space<hbm>> -> memref<64x512xf32, #tpu.memory_space<hbm>>
    tpu.wait_dma2 semaphore(%arg12 : memref<!tpu.dma_semaphore, #tpu.memory_space<semaphore_mem>>) src(%arg6 : memref<64x512xf32, #tpu.memory_space<vmem>>) dst(%dma_wait3A_364 : memref<64x512xf32, #tpu.memory_space<hbm>>)
    %add3A_365 = arith.constant 32 : i32
    %add3A_366 = arith.addi %add3A_365, %shift_right_logical3A_1 : i32
    %shift_right_logical3A_367 = arith.constant 4 : i32
    %shift_right_logical3A_368 = arith.shrui %add3A_366, %shift_right_logical3A_367 : i32
    %and3A_369 = arith.constant 15 : i32
    %and3A_370 = arith.andi %add3A_366, %and3A_369 : i32
    %mul3A_371 = arith.constant 64 : i32
    %mul3A_372 = arith.muli %shift_right_logical3A_368, %mul3A_371 : i32
    %mul3A_373 = arith.constant 1101005 : i32
    %mul3A_374 = arith.muli %and3A_370, %mul3A_373 : i32
    %shift_right_logical3A_375 = arith.constant 18 : i32
    %shift_right_logical3A_376 = arith.shrui %mul3A_374, %shift_right_logical3A_375 : i32
    %add3A_377 = arith.addi %mul3A_372, %shift_right_logical3A_376 : i32
    %dma_start3A_378 = arith.constant 0 : i32
    %dma_start3A_379 = tpu.memref_slice %arg2[%add3A_377, %mul3A_4, %dma_start3A_378] : memref<192x512x512xf32, #tpu.memory_space<hbm>> -> memref<1x64x512xf32, #tpu.memory_space<hbm>>
    %dma_start3A_380 = tpu.memref_squeeze %dma_start3A_379 : memref<1x64x512xf32, #tpu.memory_space<hbm>> -> memref<64x512xf32, #tpu.memory_space<hbm>>
    %dma_start3A_381 = arith.constant 0 : i32
    %dma_start3A_382 = tpu.memref_slice %arg2[%add3A_377, %mul3A_4, %dma_start3A_381] : memref<192x512x512xf32, #tpu.memory_space<hbm>> -> memref<1x64x512xf32, #tpu.memory_space<hbm>>
    %dma_start3A_383 = tpu.memref_squeeze %dma_start3A_382 : memref<1x64x512xf32, #tpu.memory_space<hbm>> -> memref<64x512xf32, #tpu.memory_space<hbm>>
    tpu.enqueue_dma source(%dma_start3A_383 : memref<64x512xf32, #tpu.memory_space<hbm>>) target(%arg6 : memref<64x512xf32, #tpu.memory_space<vmem>>) target_semaphore(%arg9 : memref<!tpu.dma_semaphore, #tpu.memory_space<semaphore_mem>>)
    %add3A_384 = arith.constant 24 : i32
    %add3A_385 = arith.addi %add3A_384, %shift_right_logical3A_1 : i32
    %shift_right_logical3A_386 = arith.constant 4 : i32
    %shift_right_logical3A_387 = arith.shrui %add3A_385, %shift_right_logical3A_386 : i32
    %and3A_388 = arith.constant 15 : i32
    %and3A_389 = arith.andi %add3A_385, %and3A_388 : i32
    %mul3A_390 = arith.constant 64 : i32
    %mul3A_391 = arith.muli %shift_right_logical3A_387, %mul3A_390 : i32
    %mul3A_392 = arith.constant 1101005 : i32
    %mul3A_393 = arith.muli %and3A_389, %mul3A_392 : i32
    %shift_right_logical3A_394 = arith.constant 18 : i32
    %shift_right_logical3A_395 = arith.shrui %mul3A_393, %shift_right_logical3A_394 : i32
    %add3A_396 = arith.addi %mul3A_391, %shift_right_logical3A_395 : i32
    %dma_wait3A_397 = arith.constant 0 : i32
    %dma_wait3A_398 = tpu.memref_slice %arg2[%add3A_396, %mul3A_4, %dma_wait3A_397] : memref<192x512x512xf32, #tpu.memory_space<hbm>> -> memref<1x64x512xf32, #tpu.memory_space<hbm>>
    %dma_wait3A_399 = tpu.memref_squeeze %dma_wait3A_398 : memref<1x64x512xf32, #tpu.memory_space<hbm>> -> memref<64x512xf32, #tpu.memory_space<hbm>>
    %dma_wait3A_400 = arith.constant 0 : i32
    %dma_wait3A_401 = tpu.memref_slice %arg2[%add3A_396, %mul3A_4, %dma_wait3A_400] : memref<192x512x512xf32, #tpu.memory_space<hbm>> -> memref<1x64x512xf32, #tpu.memory_space<hbm>>
    %dma_wait3A_402 = tpu.memref_squeeze %dma_wait3A_401 : memref<1x64x512xf32, #tpu.memory_space<hbm>> -> memref<64x512xf32, #tpu.memory_space<hbm>>
    tpu.wait_dma2 semaphore(%arg7 : memref<!tpu.dma_semaphore, #tpu.memory_space<semaphore_mem>>) src(%dma_wait3A_402 : memref<64x512xf32, #tpu.memory_space<hbm>>) dst(%arg4 : memref<64x512xf32, #tpu.memory_space<vmem>>)
    %add3A_403 = arith.constant 24 : i32
    %add3A_404 = arith.addi %add3A_403, %shift_right_logical3A_1 : i32
    %dma_start3A_405 = arith.constant 0 : i32
    %dma_start3A_406 = tpu.memref_slice %arg3[%add3A_404, %mul3A_4, %dma_start3A_405] : memref<48x512x512xf32, #tpu.memory_space<hbm>> -> memref<1x64x512xf32, #tpu.memory_space<hbm>>
    %dma_start3A_407 = tpu.memref_squeeze %dma_start3A_406 : memref<1x64x512xf32, #tpu.memory_space<hbm>> -> memref<64x512xf32, #tpu.memory_space<hbm>>
    %dma_start3A_408 = arith.constant 0 : i32
    %dma_start3A_409 = tpu.memref_slice %arg3[%add3A_404, %mul3A_4, %dma_start3A_408] : memref<48x512x512xf32, #tpu.memory_space<hbm>> -> memref<1x64x512xf32, #tpu.memory_space<hbm>>
    %dma_start3A_410 = tpu.memref_squeeze %dma_start3A_409 : memref<1x64x512xf32, #tpu.memory_space<hbm>> -> memref<64x512xf32, #tpu.memory_space<hbm>>
    tpu.enqueue_dma source(%arg4 : memref<64x512xf32, #tpu.memory_space<vmem>>) target(%dma_start3A_410 : memref<64x512xf32, #tpu.memory_space<hbm>>) target_semaphore(%arg10 : memref<!tpu.dma_semaphore, #tpu.memory_space<semaphore_mem>>)
    %add3A_411 = arith.constant 24 : i32
    %add3A_412 = arith.addi %add3A_411, %shift_right_logical3A_1 : i32
    %dma_wait3A_413 = arith.constant 0 : i32
    %dma_wait3A_414 = tpu.memref_slice %arg3[%add3A_412, %mul3A_4, %dma_wait3A_413] : memref<48x512x512xf32, #tpu.memory_space<hbm>> -> memref<1x64x512xf32, #tpu.memory_space<hbm>>
    %dma_wait3A_415 = tpu.memref_squeeze %dma_wait3A_414 : memref<1x64x512xf32, #tpu.memory_space<hbm>> -> memref<64x512xf32, #tpu.memory_space<hbm>>
    %dma_wait3A_416 = arith.constant 0 : i32
    %dma_wait3A_417 = tpu.memref_slice %arg3[%add3A_412, %mul3A_4, %dma_wait3A_416] : memref<48x512x512xf32, #tpu.memory_space<hbm>> -> memref<1x64x512xf32, #tpu.memory_space<hbm>>
    %dma_wait3A_418 = tpu.memref_squeeze %dma_wait3A_417 : memref<1x64x512xf32, #tpu.memory_space<hbm>> -> memref<64x512xf32, #tpu.memory_space<hbm>>
    tpu.wait_dma2 semaphore(%arg10 : memref<!tpu.dma_semaphore, #tpu.memory_space<semaphore_mem>>) src(%arg4 : memref<64x512xf32, #tpu.memory_space<vmem>>) dst(%dma_wait3A_418 : memref<64x512xf32, #tpu.memory_space<hbm>>)
    %add3A_419 = arith.constant 36 : i32
    %add3A_420 = arith.addi %add3A_419, %shift_right_logical3A_1 : i32
    %shift_right_logical3A_421 = arith.constant 4 : i32
    %shift_right_logical3A_422 = arith.shrui %add3A_420, %shift_right_logical3A_421 : i32
    %and3A_423 = arith.constant 15 : i32
    %and3A_424 = arith.andi %add3A_420, %and3A_423 : i32
    %mul3A_425 = arith.constant 64 : i32
    %mul3A_426 = arith.muli %shift_right_logical3A_422, %mul3A_425 : i32
    %mul3A_427 = arith.constant 1101005 : i32
    %mul3A_428 = arith.muli %and3A_424, %mul3A_427 : i32
    %shift_right_logical3A_429 = arith.constant 18 : i32
    %shift_right_logical3A_430 = arith.shrui %mul3A_428, %shift_right_logical3A_429 : i32
    %add3A_431 = arith.addi %mul3A_426, %shift_right_logical3A_430 : i32
    %dma_start3A_432 = arith.constant 0 : i32
    %dma_start3A_433 = tpu.memref_slice %arg2[%add3A_431, %mul3A_4, %dma_start3A_432] : memref<192x512x512xf32, #tpu.memory_space<hbm>> -> memref<1x64x512xf32, #tpu.memory_space<hbm>>
    %dma_start3A_434 = tpu.memref_squeeze %dma_start3A_433 : memref<1x64x512xf32, #tpu.memory_space<hbm>> -> memref<64x512xf32, #tpu.memory_space<hbm>>
    %dma_start3A_435 = arith.constant 0 : i32
    %dma_start3A_436 = tpu.memref_slice %arg2[%add3A_431, %mul3A_4, %dma_start3A_435] : memref<192x512x512xf32, #tpu.memory_space<hbm>> -> memref<1x64x512xf32, #tpu.memory_space<hbm>>
    %dma_start3A_437 = tpu.memref_squeeze %dma_start3A_436 : memref<1x64x512xf32, #tpu.memory_space<hbm>> -> memref<64x512xf32, #tpu.memory_space<hbm>>
    tpu.enqueue_dma source(%dma_start3A_437 : memref<64x512xf32, #tpu.memory_space<hbm>>) target(%arg4 : memref<64x512xf32, #tpu.memory_space<vmem>>) target_semaphore(%arg7 : memref<!tpu.dma_semaphore, #tpu.memory_space<semaphore_mem>>)
    %add3A_438 = arith.constant 28 : i32
    %add3A_439 = arith.addi %add3A_438, %shift_right_logical3A_1 : i32
    %shift_right_logical3A_440 = arith.constant 4 : i32
    %shift_right_logical3A_441 = arith.shrui %add3A_439, %shift_right_logical3A_440 : i32
    %and3A_442 = arith.constant 15 : i32
    %and3A_443 = arith.andi %add3A_439, %and3A_442 : i32
    %mul3A_444 = arith.constant 64 : i32
    %mul3A_445 = arith.muli %shift_right_logical3A_441, %mul3A_444 : i32
    %mul3A_446 = arith.constant 1101005 : i32
    %mul3A_447 = arith.muli %and3A_443, %mul3A_446 : i32
    %shift_right_logical3A_448 = arith.constant 18 : i32
    %shift_right_logical3A_449 = arith.shrui %mul3A_447, %shift_right_logical3A_448 : i32
    %add3A_450 = arith.addi %mul3A_445, %shift_right_logical3A_449 : i32
    %dma_wait3A_451 = arith.constant 0 : i32
    %dma_wait3A_452 = tpu.memref_slice %arg2[%add3A_450, %mul3A_4, %dma_wait3A_451] : memref<192x512x512xf32, #tpu.memory_space<hbm>> -> memref<1x64x512xf32, #tpu.memory_space<hbm>>
    %dma_wait3A_453 = tpu.memref_squeeze %dma_wait3A_452 : memref<1x64x512xf32, #tpu.memory_space<hbm>> -> memref<64x512xf32, #tpu.memory_space<hbm>>
    %dma_wait3A_454 = arith.constant 0 : i32
    %dma_wait3A_455 = tpu.memref_slice %arg2[%add3A_450, %mul3A_4, %dma_wait3A_454] : memref<192x512x512xf32, #tpu.memory_space<hbm>> -> memref<1x64x512xf32, #tpu.memory_space<hbm>>
    %dma_wait3A_456 = tpu.memref_squeeze %dma_wait3A_455 : memref<1x64x512xf32, #tpu.memory_space<hbm>> -> memref<64x512xf32, #tpu.memory_space<hbm>>
    tpu.wait_dma2 semaphore(%arg8 : memref<!tpu.dma_semaphore, #tpu.memory_space<semaphore_mem>>) src(%dma_wait3A_456 : memref<64x512xf32, #tpu.memory_space<hbm>>) dst(%arg5 : memref<64x512xf32, #tpu.memory_space<vmem>>)
    %add3A_457 = arith.constant 28 : i32
    %add3A_458 = arith.addi %add3A_457, %shift_right_logical3A_1 : i32
    %dma_start3A_459 = arith.constant 0 : i32
    %dma_start3A_460 = tpu.memref_slice %arg3[%add3A_458, %mul3A_4, %dma_start3A_459] : memref<48x512x512xf32, #tpu.memory_space<hbm>> -> memref<1x64x512xf32, #tpu.memory_space<hbm>>
    %dma_start3A_461 = tpu.memref_squeeze %dma_start3A_460 : memref<1x64x512xf32, #tpu.memory_space<hbm>> -> memref<64x512xf32, #tpu.memory_space<hbm>>
    %dma_start3A_462 = arith.constant 0 : i32
    %dma_start3A_463 = tpu.memref_slice %arg3[%add3A_458, %mul3A_4, %dma_start3A_462] : memref<48x512x512xf32, #tpu.memory_space<hbm>> -> memref<1x64x512xf32, #tpu.memory_space<hbm>>
    %dma_start3A_464 = tpu.memref_squeeze %dma_start3A_463 : memref<1x64x512xf32, #tpu.memory_space<hbm>> -> memref<64x512xf32, #tpu.memory_space<hbm>>
    tpu.enqueue_dma source(%arg5 : memref<64x512xf32, #tpu.memory_space<vmem>>) target(%dma_start3A_464 : memref<64x512xf32, #tpu.memory_space<hbm>>) target_semaphore(%arg11 : memref<!tpu.dma_semaphore, #tpu.memory_space<semaphore_mem>>)
    %add3A_465 = arith.constant 28 : i32
    %add3A_466 = arith.addi %add3A_465, %shift_right_logical3A_1 : i32
    %dma_wait3A_467 = arith.constant 0 : i32
    %dma_wait3A_468 = tpu.memref_slice %arg3[%add3A_466, %mul3A_4, %dma_wait3A_467] : memref<48x512x512xf32, #tpu.memory_space<hbm>> -> memref<1x64x512xf32, #tpu.memory_space<hbm>>
    %dma_wait3A_469 = tpu.memref_squeeze %dma_wait3A_468 : memref<1x64x512xf32, #tpu.memory_space<hbm>> -> memref<64x512xf32, #tpu.memory_space<hbm>>
    %dma_wait3A_470 = arith.constant 0 : i32
    %dma_wait3A_471 = tpu.memref_slice %arg3[%add3A_466, %mul3A_4, %dma_wait3A_470] : memref<48x512x512xf32, #tpu.memory_space<hbm>> -> memref<1x64x512xf32, #tpu.memory_space<hbm>>
    %dma_wait3A_472 = tpu.memref_squeeze %dma_wait3A_471 : memref<1x64x512xf32, #tpu.memory_space<hbm>> -> memref<64x512xf32, #tpu.memory_space<hbm>>
    tpu.wait_dma2 semaphore(%arg11 : memref<!tpu.dma_semaphore, #tpu.memory_space<semaphore_mem>>) src(%arg5 : memref<64x512xf32, #tpu.memory_space<vmem>>) dst(%dma_wait3A_472 : memref<64x512xf32, #tpu.memory_space<hbm>>)
    %add3A_473 = arith.constant 40 : i32
    %add3A_474 = arith.addi %add3A_473, %shift_right_logical3A_1 : i32
    %shift_right_logical3A_475 = arith.constant 4 : i32
    %shift_right_logical3A_476 = arith.shrui %add3A_474, %shift_right_logical3A_475 : i32
    %and3A_477 = arith.constant 15 : i32
    %and3A_478 = arith.andi %add3A_474, %and3A_477 : i32
    %mul3A_479 = arith.constant 64 : i32
    %mul3A_480 = arith.muli %shift_right_logical3A_476, %mul3A_479 : i32
    %mul3A_481 = arith.constant 1101005 : i32
    %mul3A_482 = arith.muli %and3A_478, %mul3A_481 : i32
    %shift_right_logical3A_483 = arith.constant 18 : i32
    %shift_right_logical3A_484 = arith.shrui %mul3A_482, %shift_right_logical3A_483 : i32
    %add3A_485 = arith.addi %mul3A_480, %shift_right_logical3A_484 : i32
    %dma_start3A_486 = arith.constant 0 : i32
    %dma_start3A_487 = tpu.memref_slice %arg2[%add3A_485, %mul3A_4, %dma_start3A_486] : memref<192x512x512xf32, #tpu.memory_space<hbm>> -> memref<1x64x512xf32, #tpu.memory_space<hbm>>
    %dma_start3A_488 = tpu.memref_squeeze %dma_start3A_487 : memref<1x64x512xf32, #tpu.memory_space<hbm>> -> memref<64x512xf32, #tpu.memory_space<hbm>>
    %dma_start3A_489 = arith.constant 0 : i32
    %dma_start3A_490 = tpu.memref_slice %arg2[%add3A_485, %mul3A_4, %dma_start3A_489] : memref<192x512x512xf32, #tpu.memory_space<hbm>> -> memref<1x64x512xf32, #tpu.memory_space<hbm>>
    %dma_start3A_491 = tpu.memref_squeeze %dma_start3A_490 : memref<1x64x512xf32, #tpu.memory_space<hbm>> -> memref<64x512xf32, #tpu.memory_space<hbm>>
    tpu.enqueue_dma source(%dma_start3A_491 : memref<64x512xf32, #tpu.memory_space<hbm>>) target(%arg5 : memref<64x512xf32, #tpu.memory_space<vmem>>) target_semaphore(%arg8 : memref<!tpu.dma_semaphore, #tpu.memory_space<semaphore_mem>>)
    %add3A_492 = arith.constant 32 : i32
    %add3A_493 = arith.addi %add3A_492, %shift_right_logical3A_1 : i32
    %shift_right_logical3A_494 = arith.constant 4 : i32
    %shift_right_logical3A_495 = arith.shrui %add3A_493, %shift_right_logical3A_494 : i32
    %and3A_496 = arith.constant 15 : i32
    %and3A_497 = arith.andi %add3A_493, %and3A_496 : i32
    %mul3A_498 = arith.constant 64 : i32
    %mul3A_499 = arith.muli %shift_right_logical3A_495, %mul3A_498 : i32
    %mul3A_500 = arith.constant 1101005 : i32
    %mul3A_501 = arith.muli %and3A_497, %mul3A_500 : i32
    %shift_right_logical3A_502 = arith.constant 18 : i32
    %shift_right_logical3A_503 = arith.shrui %mul3A_501, %shift_right_logical3A_502 : i32
    %add3A_504 = arith.addi %mul3A_499, %shift_right_logical3A_503 : i32
    %dma_wait3A_505 = arith.constant 0 : i32
    %dma_wait3A_506 = tpu.memref_slice %arg2[%add3A_504, %mul3A_4, %dma_wait3A_505] : memref<192x512x512xf32, #tpu.memory_space<hbm>> -> memref<1x64x512xf32, #tpu.memory_space<hbm>>
    %dma_wait3A_507 = tpu.memref_squeeze %dma_wait3A_506 : memref<1x64x512xf32, #tpu.memory_space<hbm>> -> memref<64x512xf32, #tpu.memory_space<hbm>>
    %dma_wait3A_508 = arith.constant 0 : i32
    %dma_wait3A_509 = tpu.memref_slice %arg2[%add3A_504, %mul3A_4, %dma_wait3A_508] : memref<192x512x512xf32, #tpu.memory_space<hbm>> -> memref<1x64x512xf32, #tpu.memory_space<hbm>>
    %dma_wait3A_510 = tpu.memref_squeeze %dma_wait3A_509 : memref<1x64x512xf32, #tpu.memory_space<hbm>> -> memref<64x512xf32, #tpu.memory_space<hbm>>
    tpu.wait_dma2 semaphore(%arg9 : memref<!tpu.dma_semaphore, #tpu.memory_space<semaphore_mem>>) src(%dma_wait3A_510 : memref<64x512xf32, #tpu.memory_space<hbm>>) dst(%arg6 : memref<64x512xf32, #tpu.memory_space<vmem>>)
    %add3A_511 = arith.constant 32 : i32
    %add3A_512 = arith.addi %add3A_511, %shift_right_logical3A_1 : i32
    %dma_start3A_513 = arith.constant 0 : i32
    %dma_start3A_514 = tpu.memref_slice %arg3[%add3A_512, %mul3A_4, %dma_start3A_513] : memref<48x512x512xf32, #tpu.memory_space<hbm>> -> memref<1x64x512xf32, #tpu.memory_space<hbm>>
    %dma_start3A_515 = tpu.memref_squeeze %dma_start3A_514 : memref<1x64x512xf32, #tpu.memory_space<hbm>> -> memref<64x512xf32, #tpu.memory_space<hbm>>
    %dma_start3A_516 = arith.constant 0 : i32
    %dma_start3A_517 = tpu.memref_slice %arg3[%add3A_512, %mul3A_4, %dma_start3A_516] : memref<48x512x512xf32, #tpu.memory_space<hbm>> -> memref<1x64x512xf32, #tpu.memory_space<hbm>>
    %dma_start3A_518 = tpu.memref_squeeze %dma_start3A_517 : memref<1x64x512xf32, #tpu.memory_space<hbm>> -> memref<64x512xf32, #tpu.memory_space<hbm>>
    tpu.enqueue_dma source(%arg6 : memref<64x512xf32, #tpu.memory_space<vmem>>) target(%dma_start3A_518 : memref<64x512xf32, #tpu.memory_space<hbm>>) target_semaphore(%arg12 : memref<!tpu.dma_semaphore, #tpu.memory_space<semaphore_mem>>)
    %add3A_519 = arith.constant 32 : i32
    %add3A_520 = arith.addi %add3A_519, %shift_right_logical3A_1 : i32
    %dma_wait3A_521 = arith.constant 0 : i32
    %dma_wait3A_522 = tpu.memref_slice %arg3[%add3A_520, %mul3A_4, %dma_wait3A_521] : memref<48x512x512xf32, #tpu.memory_space<hbm>> -> memref<1x64x512xf32, #tpu.memory_space<hbm>>
    %dma_wait3A_523 = tpu.memref_squeeze %dma_wait3A_522 : memref<1x64x512xf32, #tpu.memory_space<hbm>> -> memref<64x512xf32, #tpu.memory_space<hbm>>
    %dma_wait3A_524 = arith.constant 0 : i32
    %dma_wait3A_525 = tpu.memref_slice %arg3[%add3A_520, %mul3A_4, %dma_wait3A_524] : memref<48x512x512xf32, #tpu.memory_space<hbm>> -> memref<1x64x512xf32, #tpu.memory_space<hbm>>
    %dma_wait3A_526 = tpu.memref_squeeze %dma_wait3A_525 : memref<1x64x512xf32, #tpu.memory_space<hbm>> -> memref<64x512xf32, #tpu.memory_space<hbm>>
    tpu.wait_dma2 semaphore(%arg12 : memref<!tpu.dma_semaphore, #tpu.memory_space<semaphore_mem>>) src(%arg6 : memref<64x512xf32, #tpu.memory_space<vmem>>) dst(%dma_wait3A_526 : memref<64x512xf32, #tpu.memory_space<hbm>>)
    %add3A_527 = arith.constant 44 : i32
    %add3A_528 = arith.addi %add3A_527, %shift_right_logical3A_1 : i32
    %shift_right_logical3A_529 = arith.constant 4 : i32
    %shift_right_logical3A_530 = arith.shrui %add3A_528, %shift_right_logical3A_529 : i32
    %and3A_531 = arith.constant 15 : i32
    %and3A_532 = arith.andi %add3A_528, %and3A_531 : i32
    %mul3A_533 = arith.constant 64 : i32
    %mul3A_534 = arith.muli %shift_right_logical3A_530, %mul3A_533 : i32
    %mul3A_535 = arith.constant 1101005 : i32
    %mul3A_536 = arith.muli %and3A_532, %mul3A_535 : i32
    %shift_right_logical3A_537 = arith.constant 18 : i32
    %shift_right_logical3A_538 = arith.shrui %mul3A_536, %shift_right_logical3A_537 : i32
    %add3A_539 = arith.addi %mul3A_534, %shift_right_logical3A_538 : i32
    %dma_start3A_540 = arith.constant 0 : i32
    %dma_start3A_541 = tpu.memref_slice %arg2[%add3A_539, %mul3A_4, %dma_start3A_540] : memref<192x512x512xf32, #tpu.memory_space<hbm>> -> memref<1x64x512xf32, #tpu.memory_space<hbm>>
    %dma_start3A_542 = tpu.memref_squeeze %dma_start3A_541 : memref<1x64x512xf32, #tpu.memory_space<hbm>> -> memref<64x512xf32, #tpu.memory_space<hbm>>
    %dma_start3A_543 = arith.constant 0 : i32
    %dma_start3A_544 = tpu.memref_slice %arg2[%add3A_539, %mul3A_4, %dma_start3A_543] : memref<192x512x512xf32, #tpu.memory_space<hbm>> -> memref<1x64x512xf32, #tpu.memory_space<hbm>>
    %dma_start3A_545 = tpu.memref_squeeze %dma_start3A_544 : memref<1x64x512xf32, #tpu.memory_space<hbm>> -> memref<64x512xf32, #tpu.memory_space<hbm>>
    tpu.enqueue_dma source(%dma_start3A_545 : memref<64x512xf32, #tpu.memory_space<hbm>>) target(%arg6 : memref<64x512xf32, #tpu.memory_space<vmem>>) target_semaphore(%arg9 : memref<!tpu.dma_semaphore, #tpu.memory_space<semaphore_mem>>)
    %add3A_546 = arith.constant 36 : i32
    %add3A_547 = arith.addi %add3A_546, %shift_right_logical3A_1 : i32
    %shift_right_logical3A_548 = arith.constant 4 : i32
    %shift_right_logical3A_549 = arith.shrui %add3A_547, %shift_right_logical3A_548 : i32
    %and3A_550 = arith.constant 15 : i32
    %and3A_551 = arith.andi %add3A_547, %and3A_550 : i32
    %mul3A_552 = arith.constant 64 : i32
    %mul3A_553 = arith.muli %shift_right_logical3A_549, %mul3A_552 : i32
    %mul3A_554 = arith.constant 1101005 : i32
    %mul3A_555 = arith.muli %and3A_551, %mul3A_554 : i32
    %shift_right_logical3A_556 = arith.constant 18 : i32
    %shift_right_logical3A_557 = arith.shrui %mul3A_555, %shift_right_logical3A_556 : i32
    %add3A_558 = arith.addi %mul3A_553, %shift_right_logical3A_557 : i32
    %dma_wait3A_559 = arith.constant 0 : i32
    %dma_wait3A_560 = tpu.memref_slice %arg2[%add3A_558, %mul3A_4, %dma_wait3A_559] : memref<192x512x512xf32, #tpu.memory_space<hbm>> -> memref<1x64x512xf32, #tpu.memory_space<hbm>>
    %dma_wait3A_561 = tpu.memref_squeeze %dma_wait3A_560 : memref<1x64x512xf32, #tpu.memory_space<hbm>> -> memref<64x512xf32, #tpu.memory_space<hbm>>
    %dma_wait3A_562 = arith.constant 0 : i32
    %dma_wait3A_563 = tpu.memref_slice %arg2[%add3A_558, %mul3A_4, %dma_wait3A_562] : memref<192x512x512xf32, #tpu.memory_space<hbm>> -> memref<1x64x512xf32, #tpu.memory_space<hbm>>
    %dma_wait3A_564 = tpu.memref_squeeze %dma_wait3A_563 : memref<1x64x512xf32, #tpu.memory_space<hbm>> -> memref<64x512xf32, #tpu.memory_space<hbm>>
    tpu.wait_dma2 semaphore(%arg7 : memref<!tpu.dma_semaphore, #tpu.memory_space<semaphore_mem>>) src(%dma_wait3A_564 : memref<64x512xf32, #tpu.memory_space<hbm>>) dst(%arg4 : memref<64x512xf32, #tpu.memory_space<vmem>>)
    %add3A_565 = arith.constant 36 : i32
    %add3A_566 = arith.addi %add3A_565, %shift_right_logical3A_1 : i32
    %dma_start3A_567 = arith.constant 0 : i32
    %dma_start3A_568 = tpu.memref_slice %arg3[%add3A_566, %mul3A_4, %dma_start3A_567] : memref<48x512x512xf32, #tpu.memory_space<hbm>> -> memref<1x64x512xf32, #tpu.memory_space<hbm>>
    %dma_start3A_569 = tpu.memref_squeeze %dma_start3A_568 : memref<1x64x512xf32, #tpu.memory_space<hbm>> -> memref<64x512xf32, #tpu.memory_space<hbm>>
    %dma_start3A_570 = arith.constant 0 : i32
    %dma_start3A_571 = tpu.memref_slice %arg3[%add3A_566, %mul3A_4, %dma_start3A_570] : memref<48x512x512xf32, #tpu.memory_space<hbm>> -> memref<1x64x512xf32, #tpu.memory_space<hbm>>
    %dma_start3A_572 = tpu.memref_squeeze %dma_start3A_571 : memref<1x64x512xf32, #tpu.memory_space<hbm>> -> memref<64x512xf32, #tpu.memory_space<hbm>>
    tpu.enqueue_dma source(%arg4 : memref<64x512xf32, #tpu.memory_space<vmem>>) target(%dma_start3A_572 : memref<64x512xf32, #tpu.memory_space<hbm>>) target_semaphore(%arg10 : memref<!tpu.dma_semaphore, #tpu.memory_space<semaphore_mem>>)
    %add3A_573 = arith.constant 40 : i32
    %add3A_574 = arith.addi %add3A_573, %shift_right_logical3A_1 : i32
    %shift_right_logical3A_575 = arith.constant 4 : i32
    %shift_right_logical3A_576 = arith.shrui %add3A_574, %shift_right_logical3A_575 : i32
    %and3A_577 = arith.constant 15 : i32
    %and3A_578 = arith.andi %add3A_574, %and3A_577 : i32
    %mul3A_579 = arith.constant 64 : i32
    %mul3A_580 = arith.muli %shift_right_logical3A_576, %mul3A_579 : i32
    %mul3A_581 = arith.constant 1101005 : i32
    %mul3A_582 = arith.muli %and3A_578, %mul3A_581 : i32
    %shift_right_logical3A_583 = arith.constant 18 : i32
    %shift_right_logical3A_584 = arith.shrui %mul3A_582, %shift_right_logical3A_583 : i32
    %add3A_585 = arith.addi %mul3A_580, %shift_right_logical3A_584 : i32
    %dma_wait3A_586 = arith.constant 0 : i32
    %dma_wait3A_587 = tpu.memref_slice %arg2[%add3A_585, %mul3A_4, %dma_wait3A_586] : memref<192x512x512xf32, #tpu.memory_space<hbm>> -> memref<1x64x512xf32, #tpu.memory_space<hbm>>
    %dma_wait3A_588 = tpu.memref_squeeze %dma_wait3A_587 : memref<1x64x512xf32, #tpu.memory_space<hbm>> -> memref<64x512xf32, #tpu.memory_space<hbm>>
    %dma_wait3A_589 = arith.constant 0 : i32
    %dma_wait3A_590 = tpu.memref_slice %arg2[%add3A_585, %mul3A_4, %dma_wait3A_589] : memref<192x512x512xf32, #tpu.memory_space<hbm>> -> memref<1x64x512xf32, #tpu.memory_space<hbm>>
    %dma_wait3A_591 = tpu.memref_squeeze %dma_wait3A_590 : memref<1x64x512xf32, #tpu.memory_space<hbm>> -> memref<64x512xf32, #tpu.memory_space<hbm>>
    tpu.wait_dma2 semaphore(%arg8 : memref<!tpu.dma_semaphore, #tpu.memory_space<semaphore_mem>>) src(%dma_wait3A_591 : memref<64x512xf32, #tpu.memory_space<hbm>>) dst(%arg5 : memref<64x512xf32, #tpu.memory_space<vmem>>)
    %add3A_592 = arith.constant 40 : i32
    %add3A_593 = arith.addi %add3A_592, %shift_right_logical3A_1 : i32
    %dma_start3A_594 = arith.constant 0 : i32
    %dma_start3A_595 = tpu.memref_slice %arg3[%add3A_593, %mul3A_4, %dma_start3A_594] : memref<48x512x512xf32, #tpu.memory_space<hbm>> -> memref<1x64x512xf32, #tpu.memory_space<hbm>>
    %dma_start3A_596 = tpu.memref_squeeze %dma_start3A_595 : memref<1x64x512xf32, #tpu.memory_space<hbm>> -> memref<64x512xf32, #tpu.memory_space<hbm>>
    %dma_start3A_597 = arith.constant 0 : i32
    %dma_start3A_598 = tpu.memref_slice %arg3[%add3A_593, %mul3A_4, %dma_start3A_597] : memref<48x512x512xf32, #tpu.memory_space<hbm>> -> memref<1x64x512xf32, #tpu.memory_space<hbm>>
    %dma_start3A_599 = tpu.memref_squeeze %dma_start3A_598 : memref<1x64x512xf32, #tpu.memory_space<hbm>> -> memref<64x512xf32, #tpu.memory_space<hbm>>
    tpu.enqueue_dma source(%arg5 : memref<64x512xf32, #tpu.memory_space<vmem>>) target(%dma_start3A_599 : memref<64x512xf32, #tpu.memory_space<hbm>>) target_semaphore(%arg11 : memref<!tpu.dma_semaphore, #tpu.memory_space<semaphore_mem>>)
    %add3A_600 = arith.constant 44 : i32
    %add3A_601 = arith.addi %add3A_600, %shift_right_logical3A_1 : i32
    %shift_right_logical3A_602 = arith.constant 4 : i32
    %shift_right_logical3A_603 = arith.shrui %add3A_601, %shift_right_logical3A_602 : i32
    %and3A_604 = arith.constant 15 : i32
    %and3A_605 = arith.andi %add3A_601, %and3A_604 : i32
    %mul3A_606 = arith.constant 64 : i32
    %mul3A_607 = arith.muli %shift_right_logical3A_603, %mul3A_606 : i32
    %mul3A_608 = arith.constant 1101005 : i32
    %mul3A_609 = arith.muli %and3A_605, %mul3A_608 : i32
    %shift_right_logical3A_610 = arith.constant 18 : i32
    %shift_right_logical3A_611 = arith.shrui %mul3A_609, %shift_right_logical3A_610 : i32
    %add3A_612 = arith.addi %mul3A_607, %shift_right_logical3A_611 : i32
    %dma_wait3A_613 = arith.constant 0 : i32
    %dma_wait3A_614 = tpu.memref_slice %arg2[%add3A_612, %mul3A_4, %dma_wait3A_613] : memref<192x512x512xf32, #tpu.memory_space<hbm>> -> memref<1x64x512xf32, #tpu.memory_space<hbm>>
    %dma_wait3A_615 = tpu.memref_squeeze %dma_wait3A_614 : memref<1x64x512xf32, #tpu.memory_space<hbm>> -> memref<64x512xf32, #tpu.memory_space<hbm>>
    %dma_wait3A_616 = arith.constant 0 : i32
    %dma_wait3A_617 = tpu.memref_slice %arg2[%add3A_612, %mul3A_4, %dma_wait3A_616] : memref<192x512x512xf32, #tpu.memory_space<hbm>> -> memref<1x64x512xf32, #tpu.memory_space<hbm>>
    %dma_wait3A_618 = tpu.memref_squeeze %dma_wait3A_617 : memref<1x64x512xf32, #tpu.memory_space<hbm>> -> memref<64x512xf32, #tpu.memory_space<hbm>>
    tpu.wait_dma2 semaphore(%arg9 : memref<!tpu.dma_semaphore, #tpu.memory_space<semaphore_mem>>) src(%dma_wait3A_618 : memref<64x512xf32, #tpu.memory_space<hbm>>) dst(%arg6 : memref<64x512xf32, #tpu.memory_space<vmem>>)
    %add3A_619 = arith.constant 44 : i32
    %add3A_620 = arith.addi %add3A_619, %shift_right_logical3A_1 : i32
    %dma_start3A_621 = arith.constant 0 : i32
    %dma_start3A_622 = tpu.memref_slice %arg3[%add3A_620, %mul3A_4, %dma_start3A_621] : memref<48x512x512xf32, #tpu.memory_space<hbm>> -> memref<1x64x512xf32, #tpu.memory_space<hbm>>
    %dma_start3A_623 = tpu.memref_squeeze %dma_start3A_622 : memref<1x64x512xf32, #tpu.memory_space<hbm>> -> memref<64x512xf32, #tpu.memory_space<hbm>>
    %dma_start3A_624 = arith.constant 0 : i32
    %dma_start3A_625 = tpu.memref_slice %arg3[%add3A_620, %mul3A_4, %dma_start3A_624] : memref<48x512x512xf32, #tpu.memory_space<hbm>> -> memref<1x64x512xf32, #tpu.memory_space<hbm>>
    %dma_start3A_626 = tpu.memref_squeeze %dma_start3A_625 : memref<1x64x512xf32, #tpu.memory_space<hbm>> -> memref<64x512xf32, #tpu.memory_space<hbm>>
    tpu.enqueue_dma source(%arg6 : memref<64x512xf32, #tpu.memory_space<vmem>>) target(%dma_start3A_626 : memref<64x512xf32, #tpu.memory_space<hbm>>) target_semaphore(%arg12 : memref<!tpu.dma_semaphore, #tpu.memory_space<semaphore_mem>>)
    %add3A_627 = arith.constant 36 : i32
    %add3A_628 = arith.addi %add3A_627, %shift_right_logical3A_1 : i32
    %dma_wait3A_629 = arith.constant 0 : i32
    %dma_wait3A_630 = tpu.memref_slice %arg3[%add3A_628, %mul3A_4, %dma_wait3A_629] : memref<48x512x512xf32, #tpu.memory_space<hbm>> -> memref<1x64x512xf32, #tpu.memory_space<hbm>>
    %dma_wait3A_631 = tpu.memref_squeeze %dma_wait3A_630 : memref<1x64x512xf32, #tpu.memory_space<hbm>> -> memref<64x512xf32, #tpu.memory_space<hbm>>
    %dma_wait3A_632 = arith.constant 0 : i32
    %dma_wait3A_633 = tpu.memref_slice %arg3[%add3A_628, %mul3A_4, %dma_wait3A_632] : memref<48x512x512xf32, #tpu.memory_space<hbm>> -> memref<1x64x512xf32, #tpu.memory_space<hbm>>
    %dma_wait3A_634 = tpu.memref_squeeze %dma_wait3A_633 : memref<1x64x512xf32, #tpu.memory_space<hbm>> -> memref<64x512xf32, #tpu.memory_space<hbm>>
    tpu.wait_dma2 semaphore(%arg10 : memref<!tpu.dma_semaphore, #tpu.memory_space<semaphore_mem>>) src(%arg4 : memref<64x512xf32, #tpu.memory_space<vmem>>) dst(%dma_wait3A_634 : memref<64x512xf32, #tpu.memory_space<hbm>>)
    %add3A_635 = arith.constant 40 : i32
    %add3A_636 = arith.addi %add3A_635, %shift_right_logical3A_1 : i32
    %dma_wait3A_637 = arith.constant 0 : i32
    %dma_wait3A_638 = tpu.memref_slice %arg3[%add3A_636, %mul3A_4, %dma_wait3A_637] : memref<48x512x512xf32, #tpu.memory_space<hbm>> -> memref<1x64x512xf32, #tpu.memory_space<hbm>>
    %dma_wait3A_639 = tpu.memref_squeeze %dma_wait3A_638 : memref<1x64x512xf32, #tpu.memory_space<hbm>> -> memref<64x512xf32, #tpu.memory_space<hbm>>
    %dma_wait3A_640 = arith.constant 0 : i32
    %dma_wait3A_641 = tpu.memref_slice %arg3[%add3A_636, %mul3A_4, %dma_wait3A_640] : memref<48x512x512xf32, #tpu.memory_space<hbm>> -> memref<1x64x512xf32, #tpu.memory_space<hbm>>
    %dma_wait3A_642 = tpu.memref_squeeze %dma_wait3A_641 : memref<1x64x512xf32, #tpu.memory_space<hbm>> -> memref<64x512xf32, #tpu.memory_space<hbm>>
    tpu.wait_dma2 semaphore(%arg11 : memref<!tpu.dma_semaphore, #tpu.memory_space<semaphore_mem>>) src(%arg5 : memref<64x512xf32, #tpu.memory_space<vmem>>) dst(%dma_wait3A_642 : memref<64x512xf32, #tpu.memory_space<hbm>>)
    %add3A_643 = arith.constant 44 : i32
    %add3A_644 = arith.addi %add3A_643, %shift_right_logical3A_1 : i32
    %dma_wait3A_645 = arith.constant 0 : i32
    %dma_wait3A_646 = tpu.memref_slice %arg3[%add3A_644, %mul3A_4, %dma_wait3A_645] : memref<48x512x512xf32, #tpu.memory_space<hbm>> -> memref<1x64x512xf32, #tpu.memory_space<hbm>>
    %dma_wait3A_647 = tpu.memref_squeeze %dma_wait3A_646 : memref<1x64x512xf32, #tpu.memory_space<hbm>> -> memref<64x512xf32, #tpu.memory_space<hbm>>
    %dma_wait3A_648 = arith.constant 0 : i32
    %dma_wait3A_649 = tpu.memref_slice %arg3[%add3A_644, %mul3A_4, %dma_wait3A_648] : memref<48x512x512xf32, #tpu.memory_space<hbm>> -> memref<1x64x512xf32, #tpu.memory_space<hbm>>
    %dma_wait3A_650 = tpu.memref_squeeze %dma_wait3A_649 : memref<1x64x512xf32, #tpu.memory_space<hbm>> -> memref<64x512xf32, #tpu.memory_space<hbm>>
    tpu.wait_dma2 semaphore(%arg12 : memref<!tpu.dma_semaphore, #tpu.memory_space<semaphore_mem>>) src(%arg6 : memref<64x512xf32, #tpu.memory_space<vmem>>) dst(%dma_wait3A_650 : memref<64x512xf32, #tpu.memory_space<hbm>>)
    return
  }
}

</mosaic_0001>

<sc_bundles>
// kernel: kernel.3.cloned.1.call-start
scs
__scs_entry_jumppad:
0x0: {  	(pc) =	sbr.rel $0x88, $3  }
0x1: {  	(tag) =	ssettag $0x0;
	lr =	simm.s32 $0x1  }
0x2: {  	[smem:$0x3FA0] =	sst lr;
	_ =	strace $0xD0000000  }
0x3: {  	_ = 	snop  }
0x4: {  	_ = 	snop  }
0x5: {  	_ = 	snop  }
0x6: {  	_ = 	snop  }
0x7: {  	_ = 	snop  }
__scs_overlays_trampoline_lowered:
0x8: {  	[smem:$0x3FAF] =	sst s0  }
0x9: {  	[smem:$0x3FB0] =	sst s1  }
0xa: {  	[smem:$0x3FB1] =	sst s2  }
0xb: {  	[smem:$0x3FB2] =	sst s3  }
0xc: {  	[smem:$0x3FB3] =	sst s4  }
0xd: {  	[smem:$0x3FB4] =	sst s5  }
0xe: {  	[smem:$0x3FB5] =	sst s6  }
0xf: {  	[smem:$0x3FB6] =	sst s7  }
0x10: {  	[smem:$0x3FB7] =	sst s8  }
0x11: {  	[smem:$0x3FB8] =	sst s9;
	s0 =	simm.s32 @!p0 $0x0  }
0x12: {  	s1 =	sld [smem:$0x3F9E];
	s0 =	simm.s32 @p0 $0x1  }
0x13: {  	[smem:$0x3FB9] =	sst s0;
	s0 =	simm.s32 @!p1 $0x0  }
0x14: {  	s2 =	sld [smem:$0x3F9D];
	s0 =	simm.s32 @p1 $0x1  }
0x15: {  	[smem:$0x3FBA] =	sst s0;
	s0 =	simm.s32 @!p2 $0x0  }
0x16: {  	s3 =	sld [smem:$0x3FDB];
	s0 =	simm.s32 @p2 $0x1  }
0x17: {  	s4 =	simm.s32 $0x1BF5;
	[smem:$0x3FBC] =	sst s0  }
0x18: {  	s0 =	sld [smem:$0x3F9F];
	_ =	swait.ge [sflag:s4], $0x0  }
0x19: {  	s7 =	sld [smem:$0x3FA0]  }
0x1a: {  	s8 =	sadd.s32 $0xFFFFE003, lr  }
0x1b: {  	s9 =	sadd.s32 $0xFFFFFEF7, lr;
	s5 =	simm.s32 $0xFFFFFFFF;
	p2 =	slt.u32 s8, $0xFFFFF086  }
0x1c: {  	p1 =	slt.u32 s9, $0xF7A;
	s5 =	simm.s32 @!p2 $0x0  }
0x1d: {  	s5 =	simm.s32 @p1 $0x1;
	p0 =	seq.s32 s7, s2  }
0x1e: {  	s7 =	smul.u32 @!p0 $0xF7A, s2;
	p2 =	seq.s32 @!p0 s5, $0x0  }
0x1f: {  	s9 =	smul.u32 $0xF7A, s1;
	s8 =	simm.s32 @!p0 $0x1BF5;
	p2 =	por !p2, p0  }
0x20: {  	[sflag:s8] =	ssyncset.s32 @!p0 $0xFFFFF086;
	s6 =	sadd.s32 @!p0 s3, s7;
	s7 =	simm.s32 @!p0 $0x108  }
0x21: {  	s3 =	sadd.s32 s3, s9;
	s6 =	sadd.s32 @!p0 $0x88, s6;
	s7 =	simm.s32 @p2 $0x1082  }
0x22: {  	[simem:s7], [sflag:s8] =	dma.local @!p0 [hbm:s6], $0xF7A  }
0x23: {  	s9 =	sor.u32 $0xD0000000, s2;
	s6 =	simm.s32 $0x108;
	_ =	swait.ge @!p0 [sflag:s8], $0x0  }
0x24: {  	s3 =	sadd.s32 $0x88, s3;
	s6 =	simm.s32 @!p1 $0x1082;
	[sflag:s4] =	ssyncset.s32 $0xFFFFF086  }
0x25: {  	[simem:s6], [sflag:s4] =	dma.local [hbm:s3], $0xF7A  }
0x26: {  	[smem:$0x3FA0] =	sst s1;
	(tag) =	ssettag s2;
	_ =	strace s9  }
0x27: {  	s1 =	sld [smem:$0x3FB0]  }
0x28: {  	s2 =	sld [smem:$0x3FB1]  }
0x29: {  	s4 =	sld [smem:$0x3FB3]  }
0x2a: {  	p0 =	seq.s32 s5, $0x0;
	s5 =	sld [smem:$0x3FB4]  }
0x2b: {  	s6 =	sld [smem:$0x3FB5]  }
0x2c: {  	s7 =	sld [smem:$0x3FB6]  }
0x2d: {  	s3 =	simm.s32 $0x108;
	s8 =	sld [smem:$0x3FB7]  }
0x2e: {  	s3 =	simm.s32 @!p0 $0x1082;
	s9 =	sld [smem:$0x3FB8]  }
0x2f: {  	lr =	sadd.s32 s0, s3;
	s0 =	sld [smem:$0x3FAF]  }
0x30: {  	s3 =	sld [smem:$0x3FB2]  }
0x31: {  	[smem:$0x3FBB] =	sst s10  }
0x32: {  	s10 =	sld [smem:$0x3FB9];
	_ =	sdelay $0x3  }
0x33: {  	p0 =	seq.s32 s10, $0x1;
	s10 =	sld [smem:$0x3FBB];
	_ =	sdelay $0x3  }
0x34: {  	[smem:$0x3FBB] =	sst s10  }
0x35: {  	s10 =	sld [smem:$0x3FBA];
	_ =	sdelay $0x3  }
0x36: {  	p1 =	seq.s32 s10, $0x1;
	s10 =	sld [smem:$0x3FBB];
	_ =	sdelay $0x3  }
0x37: {  	[smem:$0x3FBB] =	sst s10  }
0x38: {  	s10 =	sld [smem:$0x3FBC]  }
0x39: {  	_ = 	snop;
	(pc) =	sbr.ind lr, $3  }
0x3a: {  	_ = 	snop  }
0x3b: {  	_ = 	snop  }
0x3c: {  	p2 =	seq.s32 s10, $0x1;
	s10 =	sld [smem:$0x3FBB]  }
0x3d: {  	_ =	shalt  }
0x3e: {  	_ =	shalt  }
0x3f: {  	_ =	shalt  }
0x40: {  	_ =	shalt  }
0x41: {  	_ =	shalt  }
0x42: {  	_ =	shalt  }
0x43: {  	_ =	shalt  }
0x44: {  	_ =	shalt  }
0x45: {  	_ =	shalt  }
0x46: {  	_ =	shalt  }
0x47: {  	_ =	shalt  }
0x48: {  	_ =	shalt  }
0x49: {  	_ =	shalt  }
0x4a: {  	_ =	shalt  }
0x4b: {  	_ =	shalt  }
0x4c: {  	_ =	shalt  }
0x4d: {  	_ =	shalt  }
0x4e: {  	_ =	shalt  }
0x4f: {  	_ =	shalt  }
0x50: {  	_ =	shalt  }
0x51: {  	_ =	shalt  }
0x52: {  	_ =	shalt  }
0x53: {  	_ =	shalt  }
0x54: {  	_ =	shalt  }
0x55: {  	_ =	shalt  }
0x56: {  	_ =	shalt  }
0x57: {  	_ =	shalt  }
0x58: {  	_ =	shalt  }
0x59: {  	_ =	shalt  }
0x5a: {  	_ =	shalt  }
0x5b: {  	_ =	shalt  }
0x5c: {  	_ =	shalt  }
0x5d: {  	_ =	shalt  }
0x5e: {  	_ =	shalt  }
0x5f: {  	_ =	shalt  }
0x60: {  	_ =	shalt  }
0x61: {  	_ =	shalt  }
0x62: {  	_ =	shalt  }
0x63: {  	_ =	shalt  }
0x64: {  	_ =	shalt  }
0x65: {  	_ =	shalt  }
0x66: {  	_ =	shalt  }
0x67: {  	_ =	shalt  }
0x68: {  	_ =	shalt  }
0x69: {  	_ =	shalt  }
0x6a: {  	_ =	shalt  }
0x6b: {  	_ =	shalt  }
0x6c: {  	_ =	shalt  }
0x6d: {  	_ =	shalt  }
0x6e: {  	_ =	shalt  }
0x6f: {  	_ =	shalt  }
0x70: {  	_ =	shalt  }
0x71: {  	_ =	shalt  }
0x72: {  	_ =	shalt  }
0x73: {  	_ =	shalt  }
0x74: {  	_ =	shalt  }
0x75: {  	_ =	shalt  }
0x76: {  	_ =	shalt  }
0x77: {  	_ =	shalt  }
0x78: {  	_ =	shalt  }
0x79: {  	_ =	shalt  }
0x7a: {  	_ =	shalt  }
0x7b: {  	_ =	shalt  }
0x7c: {  	_ =	shalt  }
0x7d: {  	_ =	shalt  }
0x7e: {  	_ =	shalt  }
0x7f: {  	_ =	shalt  }
0x80: {  	_ =	shalt  }
0x81: {  	_ =	shalt  }
0x82: {  	_ =	shalt  }
0x83: {  	_ =	shalt  }
0x84: {  	_ =	shalt  }
0x85: {  	_ =	shalt  }
0x86: {  	_ =	shalt  }
0x87: {  	_ =	shalt  }
.Lfunc_end0:
.L_simem_size_0:
called_computation_lowered:
.L_overlay_start_0:
0x88: {  	s2 =	sld [smem:$0x3FD9]  }
0x89: {  	s3 =	sld [smem:$0x3FFE];
	_ =	sdelay $0x1  }
0x8a: {  	s1 =	srdreg.scid  }
0x8b: {  	s0 =	sand.u32 $0x1, s1  }
0x8c: {  	s15 =	sshll.u32 s0, $0xA;
	s2 =	sadd.s32 s3, s2  }
0x8d: {  	s2 =	sadd.s32 s2, s15  }
0x8e: {  	[smem:$0x3FC7] =	sst s2  }
0x8f: {  	_ = 	snop  }
0x90: {  	s2 =	sld [smem:$0x3FD0];
	_ =	sdelay $0x2  }
0x91: {  	s4 =	simm.s32 $0xA;
	s5 =	simm.s32 $0x10;
	s16 =	sld [smem:$0x3FC9]  }
0x92: {  	[smem:s5], [sflag:s4] =	dma.local [hbm:s2], $0x1  }
0x93: {  	_ =	swait.eq [sflag:s4], $0x1  }
0x94: {  	[sflag:s4] =	ssyncset.done $0x0  }
0x95: {  	[sflag:s4] =	ssyncadd.s32 $0xFFFFFFFF  }
0x96: {  	s17 =	sld [smem:$0x10];
	(tm) =	ssettm $0x1  }
0x97: {  	s18 =	sld [smem:$0x3FFB];
	_ =	sdelay $0x3  }
0x98: {  	_ =	strace s18  }
0x99: {  	s4 =	sld [smem:$0x3FFC];
	_ =	sdelay $0x3  }
0x9a: {  	_ =	strace s4  }
0x9b: {  	s4 =	sld [smem:$0x3FFD];
	_ =	sdelay $0x3  }
0x9c: {  	_ =	strace s4  }
0x9d: {  	_ =	strace $0x8FFFFFFF  }
0x9e: {  	s19 =	sld [smem:$0x3FDB];
	_ =	sdelay $0x1  }
0x9f: {  	s20 =	simm.s32 $_scs_section_size  }
0xa0: {  	s6 =	simm.s32 $_size__tile_overlayer_lowered;
	s7 =	simm.s32 $_tile_overlayer_lowered  }
0xa1: {  	s23 =	simm.s32 $0x1BFF;
	s22 =	sshll.u32 s7, $0x1;
	s4 =	sadd.s32 s20, s19  }
0xa2: {  	s8 =	simm.s32 $0x0;
	s21 =	sshll.u32 s6, $0x1;
	s6 =	sadd.s32 s22, s4  }
0xa3: {  	[timem:s8], [sflag:s23] =	dma.local [hbm:s6], s21  }
0xa4: {  	_ =	swait.ge [sflag:s23], s21  }
0xa5: {  	s5 =	ssub.s32 $0x0, s21;
	[sflag:s23] =	ssyncset.done $0x0  }
0xa6: {  	[sflag:s23] =	ssyncadd.s32 s5;
	_ =	sdelay $0x1  }
0xa7: {  	s24 =	simm.s32 $0x1B8B  }
0xa8: {  	_ =	swait.ge [sflag:s24], $0x1  }
0xa9: {  	[sflag:s24] =	ssyncset.done $0x0  }
0xaa: {  	s25 =	simm.s32 $0x1B8E;
	[sflag:s24] =	ssyncadd.s32 $0xFFFFFFFF  }
0xab: {  	s26 =	simm.s32 $execute0_lowered;
	[smem:$0x3FD2] =	sst s25  }
0xac: {  	s5 =	sshll.u32 s26, $0x1;
	_ =	strace $0x80000046;
	[dreg:$0x1] =	wrdreg $0xFFFFFFFF  }
0xad: {  	s28 =	simm.s32 $_size_execute0_lowered;
	s4 =	sadd.s32 s4, s5;
	[dreg:$0x0] =	wrdreg $0x0  }
0xae: {  	s5 =	sshll.u32 s28, $0x1;
	[dreg:$0x2] =	wrdreg s4  }
0xaf: {  	[dreg:$0x3] =	wrdreg s5  }
0xb0: {  	[dreg:$0x4] =	wrdreg $0xC0  }
0xb1: {  	_ =	task [dreg:s8], $0x5FFFF  }
0xb2: {  	[dreg:$0x1] =	wrdreg $0xFFFFFFFF  }
0xb3: {  	[dreg:$0x0] =	wrdreg $0x60  }
0xb4: {  	[dreg:$0x2] =	wrdreg s16  }
0xb5: {  	[dreg:$0x3] =	wrdreg s17  }
0xb6: {  	[dreg:$0x4] =	wrdreg $0x9  }
0xb7: {  	_ =	task.clear_ibuf [dreg:s8], $0x5FFFF;
	_ =	strace $0x90000046  }
0xb8: {  	s29 =	simm.s32 $0x9;
	_ =	strace $0x80000048  }
0xb9: {  	_ =	swait.ge [sflag:s29], $0x1  }
0xba: {  	[sflag:s29] =	ssyncadd.s32 $0xFFFFFFFF  }
0xbb: {  	_ =	strace $0x90000048  }
0xbc: {  	_ =	sfence  }
0xbd: {  	s30 =	sld [smem:$0x0];
	_ =	sdelay $0x2  }
0xbe: {  	s31 =	sshll.u32 s1, $0xD;
	s1 =	sshrl.u32 s1, $0x2  }
0xbf: {  	s3 =	sand.u32 $0x4000, s31;
	s1 =	sadd.s32 s1, s30  }
0xc0: {  	s0 =	sor.u32 s3, s0;
	s1 =	sshll.u32 s1, $0x11  }
0xc1: {  	s0 =	sor.u32 s1, s0  }
0xc2: {  	s0 =	sadd.s32 $0x8F2B, s0  }
0xc3: {  	[sflag:s0] =	ssyncadd.remote.s32 $0x1  }
0xc4: {  	_ =	sfence.sel $0xFFFF  }
0xc5: {  	[dreg:$0x0] =	wrdreg $0xFFFFFFFF;
	(pc) =	sbr.abs _section_cstart, $3  }
0xc6: {  	[dreg:$0x1] =	wrdreg $0xFFFFFFFF  }
0xc7: {  	_ =	task.clear_ibuf [dreg:s8], $0x2FFFF;
	_ =	strace $0x9FFFFFFF  }
0xc8: {  	(tm) =	ssettm $0x7FFFFFFF  }
0xc9: {  	_ =	shalt  }
tec
execute0_lowered:
.L_overlay_start_1:
0x0: {  	(tag) =	ssettag $0x1  }
0x1: {  	s21 =	rddreg [dreg:$0x0]  }
0x2: {  	s28 =	rddreg [dreg:$0x1];
	s0 =	srdreg.scid;
	s2 =	simm.s32 $0x0  }
0x3: {  	s1 =	stileid.u32;
	s0 =	sand.u32 $0x1, s0;
	[smem:$0x7FF] =	sst s2  }
0x4: {  	s26 =	sshrl.u32 s1, $0x2;
	s1 =	sshll.u32 s1, $0x10;
	[dreg:$0x8] =	wrdreg s0  }
0x5: {  	s3 =	smul.u32 $0x10CCCD, s26;
	s4 =	sshll.u32 s0, $0xF;
	s1 =	sand.u32 $0x30000, s1  }
0x6: {  	s8 =	sor.u32 $0x4, s26;
	s12 =	sor.u32 $0x8, s26;
	s16 =	sor.u32 $0xC, s26  }
0x7: {  	s1 =	sor.u32 s4, s1;
	s0 =	smul.u32 $0x10CCCD, s8;
	s3 =	sand.u32 $0x3C0000, s3  }
0x8: {  	_ =	strace $0x80000047;
	s5 =	smul.u32 $0x10CCCD, s12;
	s3 =	sor.u32 s1, s3  }
0x9: {  	s6 =	smul.u32 $0x10CCCD, s16;
	s4 =	sand.u32 $0x7C0000, s0;
	s22 =	sshrl.u32 s3, $0x3  }
0xa: {  	s5 =	sand.u32 $0xFC0000, s5;
	s4 =	sor.u32 s1, s4;
	s3 =	sadd.s32 s21, s22  }
0xb: {  	[dreg:$0x3] =	wrdreg s3;
	s3 =	sshrl.u32 s4, $0x3;
	s4 =	sor.u32 s1, s5  }
0xc: {  	s3 =	sadd.s32 s21, s3;
	s7 =	sshrl.u32 s4, $0x3;
	s10 =	rddreg [dreg:$0x3]  }
0xd: {  	s9 =	sand.u32 $0xFC0000, s6;
	[dreg:$0x4] =	wrdreg s3;
	s3 =	sadd.s32 s21, s7  }
0xe: {  	[tilespmem:s2], [sflag:$0x1] =	stream.linear.gather [hbm4b:s10+s2], $0x8000, $0x38;
	[tilespmem:$0x18000] =	vst v63  }
0xf: {  	s11 =	sor.u32 s1, s9;
	[dreg:$0x5] =	wrdreg s3  }
0x10: {  	s6 =	sshll.u32 s26, $0x12;
	s3 =	sshrl.u32 s11, $0x3;
	s13 =	rddreg [dreg:$0x4]  }
0x11: {  	s14 =	sadd.s32 s21, s3;
	s3 =	simm.s32 $0x8000;
	s7 =	rddreg [dreg:$0x5]  }
0x12: {  	[tilespmem:s3], [sflag:$0x2] =	stream.linear.gather [hbm4b:s13+s2], $0x8000, $0x38;
	[tilespmem:$0x18000] =	vst v63  }
0x13: {  	s5 =	simm.s32 $0x1;
	s4 =	simm.s32 $0x10000;
	[dreg:$0x6] =	wrdreg s14  }
0x14: {  	[tilespmem:s4], [sflag:$0x3] =	stream.linear.gather [hbm4b:s7+s2], $0x8000, $0x38;
	[tilespmem:$0x18000] =	vst v63  }
0x15: {  	s6 =	sor.u32 s6, s1;
	_ =	swait.ge [sflag:s5], $0x8000  }
0x16: {  	s6 =	sshrl.u32 s6, $0x3;
	[sflag:s5] =	ssyncset.done $0x0  }
0x17: {  	s6 =	sadd.s32 s28, s6;
	s7 =	simm.s32 $0x4;
	[sflag:s5] =	ssyncadd.s32 $0xFFFF8000  }
0x18: {  	[hbm4b:s6+s2] =	stream.linear.scatter [tilespmem:s2], [sflag:$0x4], $0x8000, $0x38;
	[tilespmem:$0x18000] =	vst v63  }
0x19: {  	s8 =	sshll.u32 s8, $0x12;
	_ =	swait.ge [sflag:s7], $0x8000  }
0x1a: {  	s10 =	sor.u32 s1, s8;
	[sflag:s7] =	ssyncset.done $0x0  }
0x1b: {  	s8 =	simm.s32 $0x2;
	s9 =	rddreg [dreg:$0x6];
	[sflag:s7] =	ssyncadd.s32 $0xFFFF8000  }
0x1c: {  	[tilespmem:s2], [sflag:$0x1] =	stream.linear.gather [hbm4b:s9+s2], $0x8000, $0x38;
	[tilespmem:$0x18000] =	vst v63  }
0x1d: {  	s15 =	sshrl.u32 s10, $0x3;
	_ =	swait.ge [sflag:s8], $0x8000  }
0x1e: {  	s19 =	sadd.s32 $0x200000, s21;
	s17 =	sadd.s32 s28, s15;
	[sflag:s8] =	ssyncset.done $0x0  }
0x1f: {  	s10 =	simm.s32 $0x5;
	[dreg:$0x7] =	wrdreg s17;
	[sflag:s8] =	ssyncadd.s32 $0xFFFF8000  }
0x20: {  	[hbm4b:s17+s2] =	stream.linear.scatter [tilespmem:s3], [sflag:$0x5], $0x8000, $0x38;
	[tilespmem:$0x18000] =	vst v63  }
0x21: {  	s20 =	sor.u32 $0x14, s26;
	s12 =	sshll.u32 s12, $0x12;
	_ =	swait.ge [sflag:s10], $0x8000  }
0x22: {  	s18 =	sadd.s32 s22, s19;
	s13 =	sor.u32 s1, s12;
	[sflag:s10] =	ssyncset.done $0x0  }
0x23: {  	s14 =	sand.u32 $0x7, s20;
	s12 =	simm.s32 $0x3;
	[sflag:s10] =	ssyncadd.s32 $0xFFFF8000  }
0x24: {  	[tilespmem:s3], [sflag:$0x2] =	stream.linear.gather [hbm4b:s18+s2], $0x8000, $0x38;
	[tilespmem:$0x18000] =	vst v63  }
0x25: {  	s13 =	sshrl.u32 s13, $0x3;
	s14 =	smul.u32 $0x10CCCD, s14;
	_ =	swait.ge [sflag:s12], $0x8000  }
0x26: {  	s13 =	sadd.s32 s28, s13;
	[sflag:s12] =	ssyncset.done $0x0  }
0x27: {  	s15 =	sand.u32 $0x7C0000, s14;
	s14 =	simm.s32 $0x6;
	[sflag:s12] =	ssyncadd.s32 $0xFFFF8000  }
0x28: {  	[hbm4b:s13+s2] =	stream.linear.scatter [tilespmem:s4], [sflag:$0x6], $0x8000, $0x38;
	[tilespmem:$0x18000] =	vst v63  }
0x29: {  	s23 =	sor.u32 $0x18, s26;
	s15 =	sor.u32 s1, s15;
	_ =	swait.ge [sflag:s14], $0x8000  }
0x2a: {  	s16 =	sshll.u32 s16, $0x12;
	s15 =	sshrl.u32 s15, $0x3;
	[sflag:s14] =	ssyncset.done $0x0  }
0x2b: {  	s15 =	sadd.s32 s15, s19;
	s17 =	sand.u32 $0xB, s23;
	[sflag:s14] =	ssyncadd.s32 $0xFFFF8000  }
0x2c: {  	[tilespmem:s4], [sflag:$0x3] =	stream.linear.gather [hbm4b:s15+s2], $0x8000, $0x38;
	[tilespmem:$0x18000] =	vst v63  }
0x2d: {  	s16 =	sor.u32 s1, s16;
	s17 =	smul.u32 $0x10CCCD, s17;
	_ =	swait.ge [sflag:s5], $0x8000  }
0x2e: {  	s16 =	sshrl.u32 s16, $0x3;
	[sflag:s5] =	ssyncset.done $0x0  }
0x2f: {  	s16 =	sadd.s32 s28, s16;
	s17 =	sand.u32 $0xFC0000, s17;
	[sflag:s5] =	ssyncadd.s32 $0xFFFF8000  }
0x30: {  	[hbm4b:s16+s2] =	stream.linear.scatter [tilespmem:s2], [sflag:$0x4], $0x8000, $0x38;
	[tilespmem:$0x18000] =	vst v63  }
0x31: {  	s24 =	sor.u32 $0x1C, s26;
	s17 =	sor.u32 s1, s17;
	_ =	swait.ge [sflag:s7], $0x8000  }
0x32: {  	s11 =	smov.u32 s18;
	s17 =	sshrl.u32 s17, $0x3;
	[sflag:s7] =	ssyncset.done $0x0  }
0x33: {  	s18 =	sand.u32 $0xF, s24;
	s17 =	sadd.s32 s17, s19;
	[sflag:s7] =	ssyncadd.s32 $0xFFFF8000  }
0x34: {  	[tilespmem:s2], [sflag:$0x1] =	stream.linear.gather [hbm4b:s17+s2], $0x8000, $0x38;
	[tilespmem:$0x18000] =	vst v63  }
0x35: {  	s18 =	smul.u32 $0x10CCCD, s18;
	_ =	swait.ge [sflag:s8], $0x8000  }
0x36: {  	[sflag:s8] =	ssyncset.done $0x0  }
0x37: {  	s25 =	sand.u32 $0xFC0000, s18;
	s18 =	sadd.s32 $0x80000, s6;
	[sflag:s8] =	ssyncadd.s32 $0xFFFF8000  }
0x38: {  	[hbm4b:s18+s2] =	stream.linear.scatter [tilespmem:s3], [sflag:$0x5], $0x8000, $0x38;
	[tilespmem:$0x18000] =	vst v63  }
0x39: {  	s25 =	sor.u32 s1, s25;
	_ =	swait.ge [sflag:s10], $0x8000  }
0x3a: {  	s25 =	sshrl.u32 s25, $0x3;
	[sflag:s10] =	ssyncset.done $0x0  }
0x3b: {  	s20 =	sshll.u32 s20, $0x12;
	s19 =	sadd.s32 s25, s19;
	[sflag:s10] =	ssyncadd.s32 $0xFFFF8000  }
0x3c: {  	[tilespmem:s3], [sflag:$0x2] =	stream.linear.gather [hbm4b:s19+s2], $0x8000, $0x38;
	[tilespmem:$0x18000] =	vst v63  }
0x3d: {  	s20 =	sor.u32 s1, s20;
	_ =	swait.ge [sflag:s12], $0x8000  }
0x3e: {  	s20 =	sshrl.u32 s20, $0x3;
	[sflag:s12] =	ssyncset.done $0x0  }
0x3f: {  	s20 =	sadd.s32 s28, s20;
	[sflag:s12] =	ssyncadd.s32 $0xFFFF8000  }
0x40: {  	[hbm4b:s20+s2] =	stream.linear.scatter [tilespmem:s4], [sflag:$0x6], $0x8000, $0x38;
	[tilespmem:$0x18000] =	vst v63  }
0x41: {  	s0 =	smov.u32 s28;
	s28 =	sadd.s32 $0x400000, s21;
	_ =	swait.ge [sflag:s14], $0x8000  }
0x42: {  	s29 =	sor.u32 $0x24, s26;
	s21 =	sadd.s32 s22, s28;
	[sflag:s14] =	ssyncset.done $0x0  }
0x43: {  	s23 =	sshll.u32 s23, $0x12;
	s25 =	sand.u32 $0x7, s29;
	[sflag:s14] =	ssyncadd.s32 $0xFFFF8000  }
0x44: {  	[tilespmem:s4], [sflag:$0x3] =	stream.linear.gather [hbm4b:s21+s2], $0x8000, $0x38;
	[tilespmem:$0x18000] =	vst v63  }
0x45: {  	s22 =	sor.u32 s1, s23;
	s23 =	smul.u32 $0x10CCCD, s25;
	_ =	swait.ge [sflag:s5], $0x8000  }
0x46: {  	s22 =	sshrl.u32 s22, $0x3;
	[sflag:s5] =	ssyncset.done $0x0  }
0x47: {  	s22 =	sadd.s32 s0, s22;
	s23 =	sand.u32 $0x7C0000, s23;
	[sflag:s5] =	ssyncadd.s32 $0xFFFF8000  }
0x48: {  	[hbm4b:s22+s2] =	stream.linear.scatter [tilespmem:s2], [sflag:$0x4], $0x8000, $0x38;
	[tilespmem:$0x18000] =	vst v63  }
0x49: {  	s30 =	sor.u32 $0x28, s26;
	s23 =	sor.u32 s1, s23;
	_ =	swait.ge [sflag:s7], $0x8000  }
0x4a: {  	s9 =	sand.u32 $0xB, s30;
	s23 =	sshrl.u32 s23, $0x3;
	[sflag:s7] =	ssyncset.done $0x0  }
0x4b: {  	s24 =	sshll.u32 s24, $0x12;
	s23 =	sadd.s32 s23, s28;
	[sflag:s7] =	ssyncadd.s32 $0xFFFF8000  }
0x4c: {  	[tilespmem:s2], [sflag:$0x1] =	stream.linear.gather [hbm4b:s23+s2], $0x8000, $0x38;
	[tilespmem:$0x18000] =	vst v63  }
0x4d: {  	s24 =	sor.u32 s1, s24;
	s25 =	smul.u32 $0x10CCCD, s9;
	_ =	swait.ge [sflag:s8], $0x8000  }
0x4e: {  	s24 =	sshrl.u32 s24, $0x3;
	[sflag:s8] =	ssyncset.done $0x0  }
0x4f: {  	s24 =	sadd.s32 s0, s24;
	s25 =	sand.u32 $0xFC0000, s25;
	[sflag:s8] =	ssyncadd.s32 $0xFFFF8000  }
0x50: {  	[hbm4b:s24+s2] =	stream.linear.scatter [tilespmem:s3], [sflag:$0x5], $0x8000, $0x38;
	[tilespmem:$0x18000] =	vst v63  }
0x51: {  	s25 =	sor.u32 s1, s25;
	_ =	swait.ge [sflag:s10], $0x8000  }
0x52: {  	s31 =	sor.u32 $0x2C, s26;
	s25 =	sshrl.u32 s25, $0x3;
	[sflag:s10] =	ssyncset.done $0x0  }
0x53: {  	s26 =	sand.u32 $0xF, s31;
	s25 =	sadd.s32 s25, s28;
	[sflag:s10] =	ssyncadd.s32 $0xFFFF8000  }
0x54: {  	[tilespmem:s3], [sflag:$0x2] =	stream.linear.gather [hbm4b:s25+s2], $0x8000, $0x38;
	[tilespmem:$0x18000] =	vst v63  }
0x55: {  	s26 =	smul.u32 $0x10CCCD, s26;
	_ =	swait.ge [sflag:s12], $0x8000  }
0x56: {  	[sflag:s12] =	ssyncset.done $0x0  }
0x57: {  	s0 =	sand.u32 $0xFC0000, s26;
	s26 =	sadd.s32 $0x100000, s6;
	[sflag:s12] =	ssyncadd.s32 $0xFFFF8000  }
0x58: {  	[hbm4b:s26+s2] =	stream.linear.scatter [tilespmem:s4], [sflag:$0x6], $0x8000, $0x38;
	[tilespmem:$0x18000] =	vst v63  }
0x59: {  	s0 =	sor.u32 s1, s0;
	_ =	swait.ge [sflag:s14], $0x8000  }
0x5a: {  	s0 =	sshrl.u32 s0, $0x3;
	[sflag:s14] =	ssyncset.done $0x0  }
0x5b: {  	s28 =	sadd.s32 s0, s28;
	[sflag:s14] =	ssyncadd.s32 $0xFFFF8000  }
0x5c: {  	[tilespmem:s4], [sflag:$0x3] =	stream.linear.gather [hbm4b:s28+s2], $0x8000, $0x38;
	[tilespmem:$0x18000] =	vst v63  }
0x5d: {  	s9 =	smov.u32 s6;
	s6 =	sshll.u32 s29, $0x12;
	_ =	swait.ge [sflag:s5], $0x8000  }
0x5e: {  	s0 =	sor.u32 s1, s6;
	[sflag:s5] =	ssyncset.done $0x0  }
0x5f: {  	s0 =	sshrl.u32 s0, $0x3;
	s6 =	rddreg [dreg:$0x1]  }
0x60: {  	[sflag:s5] =	ssyncadd.s32 $0xFFFF8000;
	s29 =	sadd.s32 s6, s0;
	s0 =	sshll.u32 s30, $0x12  }
0x61: {  	[hbm4b:s29+s2] =	stream.linear.scatter [tilespmem:s2], [sflag:$0x4], $0x8000, $0x38;
	[tilespmem:$0x18000] =	vst v63  }
0x62: {  	s0 =	sor.u32 s1, s0;
	_ =	swait.ge [sflag:s8], $0x8000  }
0x63: {  	s0 =	sshrl.u32 s0, $0x3;
	[sflag:s8] =	ssyncset.done $0x0  }
0x64: {  	s30 =	sadd.s32 s6, s0;
	s0 =	sshll.u32 s31, $0x12;
	[sflag:s8] =	ssyncadd.s32 $0xFFFF8000  }
0x65: {  	[hbm4b:s30+s2] =	stream.linear.scatter [tilespmem:s3], [sflag:$0x5], $0x8000, $0x38;
	[tilespmem:$0x18000] =	vst v63  }
0x66: {  	s0 =	sor.u32 s1, s0;
	_ =	swait.ge [sflag:s12], $0x8000  }
0x67: {  	s0 =	sshrl.u32 s0, $0x3;
	[sflag:s12] =	ssyncset.done $0x0  }
0x68: {  	s31 =	sadd.s32 s6, s0;
	[sflag:s12] =	ssyncadd.s32 $0xFFFF8000  }
0x69: {  	[hbm4b:s31+s2] =	stream.linear.scatter [tilespmem:s4], [sflag:$0x6], $0x8000, $0x38;
	[tilespmem:$0x18000] =	vst v63  }
0x6a: {  	_ =	swait.ge [sflag:s7], $0x8000  }
0x6b: {  	s1 =	rddreg [dreg:$0x8]  }
0x6c: {  	s0 =	ssub.s32 $0x2, s1  }
0x6d: {  	s6 =	sshrl.u32 s0, $0x1  }
0x6e: {  	s0 =	ssub.s32 s0, s6  }
0x6f: {  	s0 =	smax.u32 s0, $0x1  }
0x70: {  	[sflag:s7] =	ssyncset.done $0x0;
	p0 =	sne.s32 s0, $0x1  }
.Ltmp0:
0x71: {  	[sflag:s7] =	ssyncadd.s32 $0xFFFF8000;
	(pc) =	sbr.rel @!p0 .LBB2_2-.Ltmp0, $4  }
0x72: {  	_ =	swait.ge [sflag:s10], $0x8000  }
0x73: {  	[sflag:s10] =	ssyncset.done $0x0  }
0x74: {  	[sflag:s10] =	ssyncadd.s32 $0xFFFF8000  }
0x75: {  	s0 =	sadd.s32 $0xFFFFFFFF, s0;
	_ =	swait.ge [sflag:s14], $0x8000  }
.LBB2_1:
0x76: {  	[sflag:s14] =	ssyncset.done $0x0  }
0x77: {  	s1 =	rddreg [dreg:$0x3];
	[sflag:s14] =	ssyncadd.s32 $0xFFFF8000  }
0x78: {  	[tilespmem:s2], [sflag:$0x1] =	stream.linear.gather [hbm4b:s1+s2], $0x8000, $0x38;
	[tilespmem:$0x18000] =	vst v63  }
0x79: {  	s6 =	rddreg [dreg:$0x4]  }
0x7a: {  	[tilespmem:s3], [sflag:$0x2] =	stream.linear.gather [hbm4b:s6+s2], $0x8000, $0x38;
	[tilespmem:$0x18000] =	vst v63  }
0x7b: {  	s1 =	rddreg [dreg:$0x5]  }
0x7c: {  	[tilespmem:s4], [sflag:$0x3] =	stream.linear.gather [hbm4b:s1+s2], $0x8000, $0x38;
	[tilespmem:$0x18000] =	vst v63  }
0x7d: {  	_ =	swait.ge [sflag:s5], $0x8000  }
0x7e: {  	[sflag:s5] =	ssyncset.done $0x0  }
0x7f: {  	[sflag:s5] =	ssyncadd.s32 $0xFFFF8000  }
0x80: {  	[hbm4b:s9+s2] =	stream.linear.scatter [tilespmem:s2], [sflag:$0x4], $0x8000, $0x38;
	[tilespmem:$0x18000] =	vst v63  }
0x81: {  	_ =	swait.ge [sflag:s7], $0x8000  }
0x82: {  	[sflag:s7] =	ssyncset.done $0x0  }
0x83: {  	s6 =	rddreg [dreg:$0x6];
	[sflag:s7] =	ssyncadd.s32 $0xFFFF8000  }
0x84: {  	[tilespmem:s2], [sflag:$0x1] =	stream.linear.gather [hbm4b:s6+s2], $0x8000, $0x38;
	[tilespmem:$0x18000] =	vst v63  }
0x85: {  	_ =	swait.ge [sflag:s8], $0x8000  }
0x86: {  	[sflag:s8] =	ssyncset.done $0x0  }
0x87: {  	s6 =	rddreg [dreg:$0x7];
	[sflag:s8] =	ssyncadd.s32 $0xFFFF8000  }
0x88: {  	[hbm4b:s6+s2] =	stream.linear.scatter [tilespmem:s3], [sflag:$0x5], $0x8000, $0x38;
	[tilespmem:$0x18000] =	vst v63  }
0x89: {  	_ =	swait.ge [sflag:s10], $0x8000  }
0x8a: {  	[sflag:s10] =	ssyncset.done $0x0  }
0x8b: {  	[sflag:s10] =	ssyncadd.s32 $0xFFFF8000  }
0x8c: {  	[tilespmem:s3], [sflag:$0x2] =	stream.linear.gather [hbm4b:s11+s2], $0x8000, $0x38;
	[tilespmem:$0x18000] =	vst v63  }
0x8d: {  	_ =	swait.ge [sflag:s12], $0x8000  }
0x8e: {  	[sflag:s12] =	ssyncset.done $0x0  }
0x8f: {  	[sflag:s12] =	ssyncadd.s32 $0xFFFF8000  }
0x90: {  	[hbm4b:s13+s2] =	stream.linear.scatter [tilespmem:s4], [sflag:$0x6], $0x8000, $0x38;
	[tilespmem:$0x18000] =	vst v63  }
0x91: {  	_ =	swait.ge [sflag:s14], $0x8000  }
0x92: {  	[sflag:s14] =	ssyncset.done $0x0  }
0x93: {  	[sflag:s14] =	ssyncadd.s32 $0xFFFF8000  }
0x94: {  	[tilespmem:s4], [sflag:$0x3] =	stream.linear.gather [hbm4b:s15+s2], $0x8000, $0x38;
	[tilespmem:$0x18000] =	vst v63  }
0x95: {  	_ =	swait.ge [sflag:s5], $0x8000  }
0x96: {  	[sflag:s5] =	ssyncset.done $0x0  }
0x97: {  	[sflag:s5] =	ssyncadd.s32 $0xFFFF8000  }
0x98: {  	[hbm4b:s16+s2] =	stream.linear.scatter [tilespmem:s2], [sflag:$0x4], $0x8000, $0x38;
	[tilespmem:$0x18000] =	vst v63  }
0x99: {  	_ =	swait.ge [sflag:s7], $0x8000  }
0x9a: {  	[sflag:s7] =	ssyncset.done $0x0  }
0x9b: {  	[sflag:s7] =	ssyncadd.s32 $0xFFFF8000  }
0x9c: {  	[tilespmem:s2], [sflag:$0x1] =	stream.linear.gather [hbm4b:s17+s2], $0x8000, $0x38;
	[tilespmem:$0x18000] =	vst v63  }
0x9d: {  	_ =	swait.ge [sflag:s8], $0x8000  }
0x9e: {  	[sflag:s8] =	ssyncset.done $0x0  }
0x9f: {  	[sflag:s8] =	ssyncadd.s32 $0xFFFF8000  }
0xa0: {  	[hbm4b:s18+s2] =	stream.linear.scatter [tilespmem:s3], [sflag:$0x5], $0x8000, $0x38;
	[tilespmem:$0x18000] =	vst v63  }
0xa1: {  	_ =	swait.ge [sflag:s10], $0x8000  }
0xa2: {  	[sflag:s10] =	ssyncset.done $0x0  }
0xa3: {  	[sflag:s10] =	ssyncadd.s32 $0xFFFF8000  }
0xa4: {  	[tilespmem:s3], [sflag:$0x2] =	stream.linear.gather [hbm4b:s19+s2], $0x8000, $0x38;
	[tilespmem:$0x18000] =	vst v63  }
0xa5: {  	_ =	swait.ge [sflag:s12], $0x8000  }
0xa6: {  	[sflag:s12] =	ssyncset.done $0x0  }
0xa7: {  	[sflag:s12] =	ssyncadd.s32 $0xFFFF8000  }
0xa8: {  	[hbm4b:s20+s2] =	stream.linear.scatter [tilespmem:s4], [sflag:$0x6], $0x8000, $0x38;
	[tilespmem:$0x18000] =	vst v63  }
0xa9: {  	_ =	swait.ge [sflag:s14], $0x8000  }
0xaa: {  	[sflag:s14] =	ssyncset.done $0x0  }
0xab: {  	[sflag:s14] =	ssyncadd.s32 $0xFFFF8000  }
0xac: {  	[tilespmem:s4], [sflag:$0x3] =	stream.linear.gather [hbm4b:s21+s2], $0x8000, $0x38;
	[tilespmem:$0x18000] =	vst v63  }
0xad: {  	_ =	swait.ge [sflag:s5], $0x8000  }
0xae: {  	[sflag:s5] =	ssyncset.done $0x0  }
0xaf: {  	[sflag:s5] =	ssyncadd.s32 $0xFFFF8000  }
0xb0: {  	[hbm4b:s22+s2] =	stream.linear.scatter [tilespmem:s2], [sflag:$0x4], $0x8000, $0x38;
	[tilespmem:$0x18000] =	vst v63  }
0xb1: {  	_ =	swait.ge [sflag:s7], $0x8000  }
0xb2: {  	[sflag:s7] =	ssyncset.done $0x0  }
0xb3: {  	[sflag:s7] =	ssyncadd.s32 $0xFFFF8000  }
0xb4: {  	[tilespmem:s2], [sflag:$0x1] =	stream.linear.gather [hbm4b:s23+s2], $0x8000, $0x38;
	[tilespmem:$0x18000] =	vst v63  }
0xb5: {  	_ =	swait.ge [sflag:s8], $0x8000  }
0xb6: {  	[sflag:s8] =	ssyncset.done $0x0  }
0xb7: {  	[sflag:s8] =	ssyncadd.s32 $0xFFFF8000  }
0xb8: {  	[hbm4b:s24+s2] =	stream.linear.scatter [tilespmem:s3], [sflag:$0x5], $0x8000, $0x38;
	[tilespmem:$0x18000] =	vst v63  }
0xb9: {  	_ =	swait.ge [sflag:s10], $0x8000  }
0xba: {  	[sflag:s10] =	ssyncset.done $0x0  }
0xbb: {  	[sflag:s10] =	ssyncadd.s32 $0xFFFF8000  }
0xbc: {  	[tilespmem:s3], [sflag:$0x2] =	stream.linear.gather [hbm4b:s25+s2], $0x8000, $0x38;
	[tilespmem:$0x18000] =	vst v63  }
0xbd: {  	_ =	swait.ge [sflag:s12], $0x8000  }
0xbe: {  	[sflag:s12] =	ssyncset.done $0x0  }
0xbf: {  	[sflag:s12] =	ssyncadd.s32 $0xFFFF8000  }
0xc0: {  	[hbm4b:s26+s2] =	stream.linear.scatter [tilespmem:s4], [sflag:$0x6], $0x8000, $0x38;
	[tilespmem:$0x18000] =	vst v63  }
0xc1: {  	_ =	swait.ge [sflag:s14], $0x8000  }
0xc2: {  	[sflag:s14] =	ssyncset.done $0x0  }
0xc3: {  	[sflag:s14] =	ssyncadd.s32 $0xFFFF8000  }
0xc4: {  	[tilespmem:s4], [sflag:$0x3] =	stream.linear.gather [hbm4b:s28+s2], $0x8000, $0x38;
	[tilespmem:$0x18000] =	vst v63  }
0xc5: {  	_ =	swait.ge [sflag:s5], $0x8000  }
0xc6: {  	[sflag:s5] =	ssyncset.done $0x0  }
0xc7: {  	[sflag:s5] =	ssyncadd.s32 $0xFFFF8000  }
0xc8: {  	[hbm4b:s29+s2] =	stream.linear.scatter [tilespmem:s2], [sflag:$0x4], $0x8000, $0x38;
	[tilespmem:$0x18000] =	vst v63  }
0xc9: {  	_ =	swait.ge [sflag:s8], $0x8000  }
0xca: {  	[sflag:s8] =	ssyncset.done $0x0  }
0xcb: {  	[sflag:s8] =	ssyncadd.s32 $0xFFFF8000  }
0xcc: {  	[hbm4b:s30+s2] =	stream.linear.scatter [tilespmem:s3], [sflag:$0x5], $0x8000, $0x38;
	[tilespmem:$0x18000] =	vst v63  }
0xcd: {  	_ =	swait.ge [sflag:s12], $0x8000  }
0xce: {  	[sflag:s12] =	ssyncset.done $0x0  }
0xcf: {  	[sflag:s12] =	ssyncadd.s32 $0xFFFF8000  }
0xd0: {  	[hbm4b:s31+s2] =	stream.linear.scatter [tilespmem:s4], [sflag:$0x6], $0x8000, $0x38;
	[tilespmem:$0x18000] =	vst v63  }
0xd1: {  	_ =	swait.ge [sflag:s7], $0x8000  }
0xd2: {  	p0 =	sne.s32 s0, $0x1;
	[sflag:s7] =	ssyncset.done $0x0  }
.Ltmp1:
0xd3: {  	[sflag:s7] =	ssyncadd.s32 $0xFFFF8000;
	(pc) =	sbr.rel @p0 .LBB2_1-.Ltmp1, $4  }
0xd4: {  	_ =	swait.ge [sflag:s10], $0x8000  }
0xd5: {  	[sflag:s10] =	ssyncset.done $0x0  }
0xd6: {  	[sflag:s10] =	ssyncadd.s32 $0xFFFF8000  }
0xd7: {  	s0 =	sadd.s32 $0xFFFFFFFF, s0;
	_ =	swait.ge [sflag:s14], $0x8000  }
.LBB2_2:
0xd8: {  	[sflag:s14] =	ssyncset.done $0x0  }
0xd9: {  	[sflag:s14] =	ssyncadd.s32 $0xFFFF8000  }
0xda: {  	_ =	sfence.sel $0x180000  }
0xdb: {  	[bflag:$0x0] =	sbarrier.arrive $0xFFFF  }
0xdc: {  	_ =	strace $0x90000047  }
0xdd: {  	s0 =	stileid.u32;
	[bflag:$0x2] =	sbarrier.arrive $0xFFFF  }
0xde: {  	p0 =	sne.s32 s0, $0x0;
	s0 =	rddreg [dreg:$0x2]  }
0xdf: {  	s0 =	sadd.s32 @!p0 $0x100000, s0  }
0xe0: {  	[sflag:s0] =	ssyncadd.tile.s32 @!p0 $0x1;
	_ =	shalt  }
.Lfunc_end2:
_tile_overlayer_lowered:
.L_overlay_start_2:
0xe1: {  	(tag) =	ssettag $0x2  }
0xe2: {  	s0 =	rddreg [dreg:$0x0];
	s2 =	stileid.u32  }
0xe3: {  	s1 =	rddreg [dreg:$0x1];
	p0 =	sne.s32 s2, $0x0  }
0xe4: {  	s3 =	rddreg [dreg:$0x2];
	[bflag:$0x3] =	sbarrier.arrive $0xFFFF;
	s2 =	simm.s32 @!p0 $0x1C07  }
0xe5: {  	[timem:s3], [sflag:s2] =	dma.local @!p0 [hbm:s0], s1  }
0xe6: {  	s0 =	simm.s32 @!p0 $0x7  }
0xe7: {  	_ =	swait.ge @!p0 [sflag:s0], s1  }
0xe8: {  	s1 =	ssub.s32 @!p0 $0x0, s1;
	[sflag:s0] =	ssyncset.done @!p0 $0x0  }
0xe9: {  	[sflag:s0] =	ssyncadd.s32 @!p0 s1  }
0xea: {  	[bflag:$0x3] =	sbarrier.arrive $0xFFFF  }
0xeb: {  	_ =	shalt  }

</sc_bundles>
